<compile_context>
chip_gen: v7x
topology: tpu7x:2x2x1
jax: 0.10.2.dev20260603
libtpu: 0.0.44.dev20260713+nightly
codegen_flags: <defaults>
</compile_context>

<pallas_src>
import functools

import jax
import jax.numpy as jnp
import numpy as np
from jax import lax
from jax.experimental import pallas as pl
from jax.experimental.pallas import tpu as pltpu
from jax.experimental.pallas import tpu_sc as plsc

_MASK_FRACTION = 0.75

_NUM_CORES = 2
_NUM_SUBCORES = 16
_NW = _NUM_CORES * _NUM_SUBCORES
_CHUNK_ROWS = 128

_U32 = np.uint32


def _threefry2x32(k1, k2, x0, x1):
    ks = [k1, k2, _U32(k1 ^ k2 ^ _U32(0x1BD11BDA))]
    rot = [(13, 15, 26, 6), (17, 29, 16, 24)]
    sched = [(1, 2, 1), (2, 0, 2), (0, 1, 3), (1, 2, 4), (2, 0, 5)]
    x0 = (x0 + ks[0]).astype(_U32)
    x1 = (x1 + ks[1]).astype(_U32)
    for i, (a, b, c) in enumerate(sched):
        for r in rot[i % 2]:
            x0 = (x0 + x1).astype(_U32)
            x1 = np.bitwise_or(
                np.left_shift(x1, _U32(r)), np.right_shift(x1, _U32(32 - r))
            ).astype(_U32)
            x1 = np.bitwise_xor(x0, x1)
        x0 = (x0 + ks[a]).astype(_U32)
        x1 = (x1 + ks[b] + _U32(c)).astype(_U32)
    return x0, x1


def _split_np(key, num):
    counts1 = np.zeros(num, dtype=_U32)
    counts2 = np.arange(num, dtype=_U32)
    b1, b2 = _threefry2x32(key[0], key[1], counts1, counts2)
    return np.stack([b1, b2], axis=-1)


def _random_bits32_np(key, size):
    counts1 = np.zeros(size, dtype=_U32)
    counts2 = np.arange(size, dtype=_U32)
    b1, b2 = _threefry2x32(key[0], key[1], counts1, counts2)
    return np.bitwise_xor(b1, b2)


@functools.lru_cache(maxsize=None)
def _perm_host(b: int, n: int):
    root = np.array([0, 42], dtype=_U32)
    batch_keys = _split_np(root, b)
    uint32max = np.iinfo(np.uint32).max
    num_rounds = int(np.ceil(3 * np.log(max(1, n)) / np.log(uint32max)))
    out = np.empty((b, n), dtype=np.int32)
    for i in range(b):
        key = batch_keys[i]
        x = np.arange(n, dtype=np.int32)
        for _ in range(num_rounds):
            pair = _split_np(key, 2)
            key, subkey = pair[0], pair[1]
            sort_keys = _random_bits32_np(subkey, n)
            x = x[np.argsort(sort_keys, kind="stable")]
        out[i] = x
    return out


_NBUF = 6


def _sc_gather_body(x_hbm, gidx_hbm, out_hbm, idx_v, rows_v, gsems, ssems):
    wid = lax.axis_index("s") * _NUM_CORES + lax.axis_index("c")
    pltpu.sync_copy(gidx_hbm.at[wid], idx_v)
    chunks = idx_v.shape[0]
    base = wid * (chunks * _CHUNK_ROWS)

    def _g(j, buf):
        return pltpu.make_async_copy(
            x_hbm.at[idx_v.at[j]], rows_v.at[buf], gsems.at[buf]
        )

    def _s(j, buf):
        return pltpu.make_async_copy(
            rows_v.at[buf],
            out_hbm.at[pl.ds(base + j * _CHUNK_ROWS, _CHUNK_ROWS)],
            ssems.at[buf],
        )

    for j in range(min(_NBUF - 1, chunks)):
        _g(j, j).start()
    for j in range(chunks):
        buf = j % _NBUF
        _g(j, buf).wait()
        _s(j, buf).start()
        if j >= 1:
            _s(j - 1, (j - 1) % _NBUF).wait()
        if j + _NBUF - 1 < chunks:
            _g(j + _NBUF - 1, (j + _NBUF - 1) % _NBUF).start()
    _s(chunks - 1, (chunks - 1) % _NBUF).wait()


def _tc_bcast_body(idx_ref, out_ref):
    v = idx_ref[...]
    out_ref[...] = jnp.broadcast_to(v[..., None], out_ref.shape)


def kernel(x):
    b, n, e = x.shape
    keep = int((1.0 - _MASK_FRACTION) * n)
    perm = _perm_host(b, n)

    total_rows = b * keep
    rows_per_w = total_rows // _NW
    chunks = rows_per_w // _CHUNK_ROWS
    assert rows_per_w % _CHUNK_ROWS == 0 and total_rows % _NW == 0

    gidx = (
        perm[:, :keep].astype(np.int32)
        + (np.arange(b, dtype=np.int32) * n)[:, None]
    ).reshape(_NW, chunks, _CHUNK_ROWS)

    sc_gather = pl.kernel(
        _sc_gather_body,
        out_type=jax.ShapeDtypeStruct((total_rows, e), x.dtype),
        mesh=plsc.VectorSubcoreMesh(
            core_axis_name="c",
            subcore_axis_name="s",
            num_cores=_NUM_CORES,
            num_subcores=_NUM_SUBCORES,
        ),
        scratch_types=[
            pltpu.VMEM((chunks, _CHUNK_ROWS), jnp.int32),
            pltpu.VMEM((_NBUF, _CHUNK_ROWS, e), x.dtype),
            pltpu.SemaphoreType.DMA((_NBUF,)),
            pltpu.SemaphoreType.DMA((_NBUF,)),
        ],
    )
    x_masked = sc_gather(x.reshape(b * n, e), jnp.asarray(gidx))
    x_masked = x_masked.reshape(b, keep, e)

    perm_packed = jnp.asarray(perm.reshape(b, n // 128, 128))
    bblk = 8
    rows = n // 128
    ri = pl.pallas_call(
        _tc_bcast_body,
        grid=(b // bblk,),
        in_specs=[pl.BlockSpec((bblk, rows, 128), lambda i: (i, 0, 0))],
        out_specs=pl.BlockSpec((bblk, rows, 128, e), lambda i: (i, 0, 0, 0)),
        out_shape=jax.ShapeDtypeStruct(
            (b, rows, 128, e), perm_packed.dtype
        ),
    )(perm_packed)
    ri = ri.reshape(b, n, e)

    return (x_masked, ri)

# --- scband reference (transcript-rebuilt; emitter-appended) ---
"""Pipeline reference for scband-embed-masking-18296560681226 (READ-ONLY COPY).

The authoritative reference and input builder live on the scoring server;
editing this copy changes nothing except your own understanding.
"""

import jax, jax.numpy as jnp
import numpy as np

MASK_FRACTION = 0.75

def setup_inputs(seed: int = 0) -> dict:
    key = jax.random.key(seed)
    x = jax.random.normal(key, (64, 4096, 128), dtype=jnp.float32)
    return {"x": x}

def reference(x):
    b, n, embed_size = x.shape
    # per-batch random permutation of positions (mirrors torch.randperm per batch row)
    keys = jax.random.split(jax.random.key(42), b)
    random_indices = jax.vmap(lambda k: jax.random.permutation(k, n))(keys)  # [b, n] int32
    ri = jnp.broadcast_to(random_indices[:, :, None], (b, n, embed_size))
    x_shuffle = jnp.take_along_axis(x, ri, axis=1)
    keep_size = int((1.0 - MASK_FRACTION) * n)
    x_masked = x_shuffle[:, :keep_size, :]
    return (x_masked, ri)

if __name__ == "__main__":
    import jax
    _d = setup_inputs()
    print(jax.jit(kernel)(*tuple(_d.values())))

</pallas_src>

<mosaic_0001>
#map = affine_map<(d0, d1) -> (0, 0)>
#map1 = affine_map<(d0, d1) -> (0, 0, 0)>
module attributes {stable_mosaic.version = 14 : i64} {
  func.func @_sc_gather_body(%arg0: i32, %arg1: i32, %arg2: memref<262144x128xf32, #tpu.memory_space<hbm>>, %arg3: memref<32x16x128xi32, #tpu.memory_space<hbm>>, %arg4: memref<65536x128xf32, #tpu.memory_space<hbm>>, %arg5: memref<16x128xi32, #tpu.memory_space<vmem>>, %arg6: memref<6x128x128xf32, #tpu.memory_space<vmem>>, %arg7: memref<6x!tpu.dma_semaphore, #tpu.memory_space<semaphore_mem>>, %arg8: memref<6x!tpu.dma_semaphore, #tpu.memory_space<semaphore_mem>>) attributes {dimension_semantics = [#tpu.dimension_semantics<core_parallel>, #tpu.dimension_semantics<subcore_parallel>], iteration_bounds = array<i64: 2, 16>, scalar_prefetch = 0 : i64, scratch_operands = 4 : i64, tpu.core_type = #tpu.core_type<sc_vector_subcore>, window_params = [{transform_indices = #map}, {transform_indices = #map1}, {transform_indices = #map}]} {
    %mul3A = arith.constant 2 : i32
    %mul3A_0 = arith.muli %arg1, %mul3A : i32
    %add3A = arith.addi %mul3A_0, %arg0 : i32
    "tpu.region"() ({
      %run_scoped3A = tpu.sem_alloc : memref<!tpu.dma_semaphore, #tpu.memory_space<semaphore_mem>>
      %dma_start3A_1057 = arith.constant 0 : i32
      %dma_start3A_1058 = arith.constant 0 : i32
      %dma_start3A_1059 = tpu.memref_slice %arg3[%add3A, %dma_start3A_1057, %dma_start3A_1058] : memref<32x16x128xi32, #tpu.memory_space<hbm>> -> memref<1x16x128xi32, #tpu.memory_space<hbm>>
      %dma_start3A_1060 = tpu.memref_squeeze %dma_start3A_1059 : memref<1x16x128xi32, #tpu.memory_space<hbm>> -> memref<16x128xi32, #tpu.memory_space<hbm>>
      %dma_start3A_1061 = arith.constant 0 : i32
      %dma_start3A_1062 = arith.constant 0 : i32
      %dma_start3A_1063 = tpu.memref_slice %arg3[%add3A, %dma_start3A_1061, %dma_start3A_1062] : memref<32x16x128xi32, #tpu.memory_space<hbm>> -> memref<1x16x128xi32, #tpu.memory_space<hbm>>
      %dma_start3A_1064 = tpu.memref_squeeze %dma_start3A_1063 : memref<1x16x128xi32, #tpu.memory_space<hbm>> -> memref<16x128xi32, #tpu.memory_space<hbm>>
      tpu.enqueue_dma source(%dma_start3A_1064 : memref<16x128xi32, #tpu.memory_space<hbm>>) target(%arg5 : memref<16x128xi32, #tpu.memory_space<vmem>>) target_semaphore(%run_scoped3A : memref<!tpu.dma_semaphore, #tpu.memory_space<semaphore_mem>>)
      %dma_wait3A_1065 = arith.constant 0 : i32
      %dma_wait3A_1066 = arith.constant 0 : i32
      %dma_wait3A_1067 = tpu.memref_slice %arg3[%add3A, %dma_wait3A_1065, %dma_wait3A_1066] : memref<32x16x128xi32, #tpu.memory_space<hbm>> -> memref<1x16x128xi32, #tpu.memory_space<hbm>>
      %dma_wait3A_1068 = tpu.memref_squeeze %dma_wait3A_1067 : memref<1x16x128xi32, #tpu.memory_space<hbm>> -> memref<16x128xi32, #tpu.memory_space<hbm>>
      %dma_wait3A_1069 = arith.constant 0 : i32
      %dma_wait3A_1070 = arith.constant 0 : i32
      %dma_wait3A_1071 = tpu.memref_slice %arg3[%add3A, %dma_wait3A_1069, %dma_wait3A_1070] : memref<32x16x128xi32, #tpu.memory_space<hbm>> -> memref<1x16x128xi32, #tpu.memory_space<hbm>>
      %dma_wait3A_1072 = tpu.memref_squeeze %dma_wait3A_1071 : memref<1x16x128xi32, #tpu.memory_space<hbm>> -> memref<16x128xi32, #tpu.memory_space<hbm>>
      tpu.wait_dma2 semaphore(%run_scoped3A : memref<!tpu.dma_semaphore, #tpu.memory_space<semaphore_mem>>) src(%dma_wait3A_1072 : memref<16x128xi32, #tpu.memory_space<hbm>>) dst(%arg5 : memref<16x128xi32, #tpu.memory_space<vmem>>)
      tpu.yield
    }) : () -> ()
    %mul3A_1 = arith.constant 2048 : i32
    %mul3A_2 = arith.muli %add3A, %mul3A_1 : i32
    %dma_start3A = arith.constant 0 : i32
    %dma_start3A_3 = arith.constant 0 : i32
    %dma_start3A_4 = arith.constant 0 : i32
    %dma_start3A_5 = arith.constant 0 : i32
    %dma_start3A_6 = arith.constant 0 : i32
    %dma_start3A_7 = tpu.memref_slice %arg6[%dma_start3A_3, %dma_start3A_5, %dma_start3A_6] : memref<6x128x128xf32, #tpu.memory_space<vmem>> -> memref<1x128x128xf32, #tpu.memory_space<vmem>>
    %dma_start3A_8 = tpu.memref_squeeze %dma_start3A_7 : memref<1x128x128xf32, #tpu.memory_space<vmem>> -> memref<128x128xf32, #tpu.memory_space<vmem>>
    %dma_start3A_9 = arith.constant 0 : i32
    %dma_start3A_10 = tpu.memref_slice %arg5[%dma_start3A, %dma_start3A_9] : memref<16x128xi32, #tpu.memory_space<vmem>> -> memref<1x128xi32, #tpu.memory_space<vmem>>
    %dma_start3A_11 = tpu.memref_squeeze %dma_start3A_10 : memref<1x128xi32, #tpu.memory_space<vmem>> -> memref<128xi32, #tpu.memory_space<vmem>>
    %dma_start3A_12 = arith.constant 0 : i32
    %dma_start3A_13 = arith.constant 0 : i32
    %dma_start3A_14 = tpu.memref_slice %arg2[%dma_start3A_12, %dma_start3A_13] : memref<262144x128xf32, #tpu.memory_space<hbm>> -> memref<262144x128xf32, #tpu.memory_space<hbm>>
    %dma_start3A_15 = tpu.memref_slice %arg7[%dma_start3A_4] : memref<6x!tpu.dma_semaphore, #tpu.memory_space<semaphore_mem>> -> memref<1x!tpu.dma_semaphore, #tpu.memory_space<semaphore_mem>>
    %dma_start3A_16 = tpu.memref_squeeze %dma_start3A_15 : memref<1x!tpu.dma_semaphore, #tpu.memory_space<semaphore_mem>> -> memref<!tpu.dma_semaphore, #tpu.memory_space<semaphore_mem>>
    tpu.enqueue_indirect_dma source(%dma_start3A_14 : memref<262144x128xf32, #tpu.memory_space<hbm>>) target(%dma_start3A_8 : memref<128x128xf32, #tpu.memory_space<vmem>>) offsets(%dma_start3A_11 : memref<128xi32, #tpu.memory_space<vmem>>) semaphore(%dma_start3A_16 : memref<!tpu.dma_semaphore, #tpu.memory_space<semaphore_mem>>)
    %dma_start3A_17 = arith.constant 1 : i32
    %dma_start3A_18 = arith.constant 1 : i32
    %dma_start3A_19 = arith.constant 1 : i32
    %dma_start3A_20 = arith.constant 0 : i32
    %dma_start3A_21 = arith.constant 0 : i32
    %dma_start3A_22 = tpu.memref_slice %arg6[%dma_start3A_18, %dma_start3A_20, %dma_start3A_21] : memref<6x128x128xf32, #tpu.memory_space<vmem>> -> memref<1x128x128xf32, #tpu.memory_space<vmem>>
    %dma_start3A_23 = tpu.memref_squeeze %dma_start3A_22 : memref<1x128x128xf32, #tpu.memory_space<vmem>> -> memref<128x128xf32, #tpu.memory_space<vmem>>
    %dma_start3A_24 = arith.constant 0 : i32
    %dma_start3A_25 = tpu.memref_slice %arg5[%dma_start3A_17, %dma_start3A_24] : memref<16x128xi32, #tpu.memory_space<vmem>> -> memref<1x128xi32, #tpu.memory_space<vmem>>
    %dma_start3A_26 = tpu.memref_squeeze %dma_start3A_25 : memref<1x128xi32, #tpu.memory_space<vmem>> -> memref<128xi32, #tpu.memory_space<vmem>>
    %dma_start3A_27 = arith.constant 0 : i32
    %dma_start3A_28 = arith.constant 0 : i32
    %dma_start3A_29 = tpu.memref_slice %arg2[%dma_start3A_27, %dma_start3A_28] : memref<262144x128xf32, #tpu.memory_space<hbm>> -> memref<262144x128xf32, #tpu.memory_space<hbm>>
    %dma_start3A_30 = tpu.memref_slice %arg7[%dma_start3A_19] : memref<6x!tpu.dma_semaphore, #tpu.memory_space<semaphore_mem>> -> memref<1x!tpu.dma_semaphore, #tpu.memory_space<semaphore_mem>>
    %dma_start3A_31 = tpu.memref_squeeze %dma_start3A_30 : memref<1x!tpu.dma_semaphore, #tpu.memory_space<semaphore_mem>> -> memref<!tpu.dma_semaphore, #tpu.memory_space<semaphore_mem>>
    tpu.enqueue_indirect_dma source(%dma_start3A_29 : memref<262144x128xf32, #tpu.memory_space<hbm>>) target(%dma_start3A_23 : memref<128x128xf32, #tpu.memory_space<vmem>>) offsets(%dma_start3A_26 : memref<128xi32, #tpu.memory_space<vmem>>) semaphore(%dma_start3A_31 : memref<!tpu.dma_semaphore, #tpu.memory_space<semaphore_mem>>)
    %dma_start3A_32 = arith.constant 2 : i32
    %dma_start3A_33 = arith.constant 2 : i32
    %dma_start3A_34 = arith.constant 2 : i32
    %dma_start3A_35 = arith.constant 0 : i32
    %dma_start3A_36 = arith.constant 0 : i32
    %dma_start3A_37 = tpu.memref_slice %arg6[%dma_start3A_33, %dma_start3A_35, %dma_start3A_36] : memref<6x128x128xf32, #tpu.memory_space<vmem>> -> memref<1x128x128xf32, #tpu.memory_space<vmem>>
    %dma_start3A_38 = tpu.memref_squeeze %dma_start3A_37 : memref<1x128x128xf32, #tpu.memory_space<vmem>> -> memref<128x128xf32, #tpu.memory_space<vmem>>
    %dma_start3A_39 = arith.constant 0 : i32
    %dma_start3A_40 = tpu.memref_slice %arg5[%dma_start3A_32, %dma_start3A_39] : memref<16x128xi32, #tpu.memory_space<vmem>> -> memref<1x128xi32, #tpu.memory_space<vmem>>
    %dma_start3A_41 = tpu.memref_squeeze %dma_start3A_40 : memref<1x128xi32, #tpu.memory_space<vmem>> -> memref<128xi32, #tpu.memory_space<vmem>>
    %dma_start3A_42 = arith.constant 0 : i32
    %dma_start3A_43 = arith.constant 0 : i32
    %dma_start3A_44 = tpu.memref_slice %arg2[%dma_start3A_42, %dma_start3A_43] : memref<262144x128xf32, #tpu.memory_space<hbm>> -> memref<262144x128xf32, #tpu.memory_space<hbm>>
    %dma_start3A_45 = tpu.memref_slice %arg7[%dma_start3A_34] : memref<6x!tpu.dma_semaphore, #tpu.memory_space<semaphore_mem>> -> memref<1x!tpu.dma_semaphore, #tpu.memory_space<semaphore_mem>>
    %dma_start3A_46 = tpu.memref_squeeze %dma_start3A_45 : memref<1x!tpu.dma_semaphore, #tpu.memory_space<semaphore_mem>> -> memref<!tpu.dma_semaphore, #tpu.memory_space<semaphore_mem>>
    tpu.enqueue_indirect_dma source(%dma_start3A_44 : memref<262144x128xf32, #tpu.memory_space<hbm>>) target(%dma_start3A_38 : memref<128x128xf32, #tpu.memory_space<vmem>>) offsets(%dma_start3A_41 : memref<128xi32, #tpu.memory_space<vmem>>) semaphore(%dma_start3A_46 : memref<!tpu.dma_semaphore, #tpu.memory_space<semaphore_mem>>)
    %dma_start3A_47 = arith.constant 3 : i32
    %dma_start3A_48 = arith.constant 3 : i32
    %dma_start3A_49 = arith.constant 3 : i32
    %dma_start3A_50 = arith.constant 0 : i32
    %dma_start3A_51 = arith.constant 0 : i32
    %dma_start3A_52 = tpu.memref_slice %arg6[%dma_start3A_48, %dma_start3A_50, %dma_start3A_51] : memref<6x128x128xf32, #tpu.memory_space<vmem>> -> memref<1x128x128xf32, #tpu.memory_space<vmem>>
    %dma_start3A_53 = tpu.memref_squeeze %dma_start3A_52 : memref<1x128x128xf32, #tpu.memory_space<vmem>> -> memref<128x128xf32, #tpu.memory_space<vmem>>
    %dma_start3A_54 = arith.constant 0 : i32
    %dma_start3A_55 = tpu.memref_slice %arg5[%dma_start3A_47, %dma_start3A_54] : memref<16x128xi32, #tpu.memory_space<vmem>> -> memref<1x128xi32, #tpu.memory_space<vmem>>
    %dma_start3A_56 = tpu.memref_squeeze %dma_start3A_55 : memref<1x128xi32, #tpu.memory_space<vmem>> -> memref<128xi32, #tpu.memory_space<vmem>>
    %dma_start3A_57 = arith.constant 0 : i32
    %dma_start3A_58 = arith.constant 0 : i32
    %dma_start3A_59 = tpu.memref_slice %arg2[%dma_start3A_57, %dma_start3A_58] : memref<262144x128xf32, #tpu.memory_space<hbm>> -> memref<262144x128xf32, #tpu.memory_space<hbm>>
    %dma_start3A_60 = tpu.memref_slice %arg7[%dma_start3A_49] : memref<6x!tpu.dma_semaphore, #tpu.memory_space<semaphore_mem>> -> memref<1x!tpu.dma_semaphore, #tpu.memory_space<semaphore_mem>>
    %dma_start3A_61 = tpu.memref_squeeze %dma_start3A_60 : memref<1x!tpu.dma_semaphore, #tpu.memory_space<semaphore_mem>> -> memref<!tpu.dma_semaphore, #tpu.memory_space<semaphore_mem>>
    tpu.enqueue_indirect_dma source(%dma_start3A_59 : memref<262144x128xf32, #tpu.memory_space<hbm>>) target(%dma_start3A_53 : memref<128x128xf32, #tpu.memory_space<vmem>>) offsets(%dma_start3A_56 : memref<128xi32, #tpu.memory_space<vmem>>) semaphore(%dma_start3A_61 : memref<!tpu.dma_semaphore, #tpu.memory_space<semaphore_mem>>)
    %dma_start3A_62 = arith.constant 4 : i32
    %dma_start3A_63 = arith.constant 4 : i32
    %dma_start3A_64 = arith.constant 4 : i32
    %dma_start3A_65 = arith.constant 0 : i32
    %dma_start3A_66 = arith.constant 0 : i32
    %dma_start3A_67 = tpu.memref_slice %arg6[%dma_start3A_63, %dma_start3A_65, %dma_start3A_66] : memref<6x128x128xf32, #tpu.memory_space<vmem>> -> memref<1x128x128xf32, #tpu.memory_space<vmem>>
    %dma_start3A_68 = tpu.memref_squeeze %dma_start3A_67 : memref<1x128x128xf32, #tpu.memory_space<vmem>> -> memref<128x128xf32, #tpu.memory_space<vmem>>
    %dma_start3A_69 = arith.constant 0 : i32
    %dma_start3A_70 = tpu.memref_slice %arg5[%dma_start3A_62, %dma_start3A_69] : memref<16x128xi32, #tpu.memory_space<vmem>> -> memref<1x128xi32, #tpu.memory_space<vmem>>
    %dma_start3A_71 = tpu.memref_squeeze %dma_start3A_70 : memref<1x128xi32, #tpu.memory_space<vmem>> -> memref<128xi32, #tpu.memory_space<vmem>>
    %dma_start3A_72 = arith.constant 0 : i32
    %dma_start3A_73 = arith.constant 0 : i32
    %dma_start3A_74 = tpu.memref_slice %arg2[%dma_start3A_72, %dma_start3A_73] : memref<262144x128xf32, #tpu.memory_space<hbm>> -> memref<262144x128xf32, #tpu.memory_space<hbm>>
    %dma_start3A_75 = tpu.memref_slice %arg7[%dma_start3A_64] : memref<6x!tpu.dma_semaphore, #tpu.memory_space<semaphore_mem>> -> memref<1x!tpu.dma_semaphore, #tpu.memory_space<semaphore_mem>>
    %dma_start3A_76 = tpu.memref_squeeze %dma_start3A_75 : memref<1x!tpu.dma_semaphore, #tpu.memory_space<semaphore_mem>> -> memref<!tpu.dma_semaphore, #tpu.memory_space<semaphore_mem>>
    tpu.enqueue_indirect_dma source(%dma_start3A_74 : memref<262144x128xf32, #tpu.memory_space<hbm>>) target(%dma_start3A_68 : memref<128x128xf32, #tpu.memory_space<vmem>>) offsets(%dma_start3A_71 : memref<128xi32, #tpu.memory_space<vmem>>) semaphore(%dma_start3A_76 : memref<!tpu.dma_semaphore, #tpu.memory_space<semaphore_mem>>)
    %dma_wait3A = arith.constant 0 : i32
    %dma_wait3A_77 = arith.constant 0 : i32
    %dma_wait3A_78 = arith.constant 0 : i32
    %dma_wait3A_79 = arith.constant 0 : i32
    %dma_wait3A_80 = arith.constant 0 : i32
    %dma_wait3A_81 = tpu.memref_slice %arg6[%dma_wait3A_77, %dma_wait3A_79, %dma_wait3A_80] : memref<6x128x128xf32, #tpu.memory_space<vmem>> -> memref<1x128x128xf32, #tpu.memory_space<vmem>>
    %dma_wait3A_82 = tpu.memref_squeeze %dma_wait3A_81 : memref<1x128x128xf32, #tpu.memory_space<vmem>> -> memref<128x128xf32, #tpu.memory_space<vmem>>
    %dma_wait3A_83 = arith.constant 0 : i32
    %dma_wait3A_84 = tpu.memref_slice %arg5[%dma_wait3A, %dma_wait3A_83] : memref<16x128xi32, #tpu.memory_space<vmem>> -> memref<1x128xi32, #tpu.memory_space<vmem>>
    %dma_wait3A_85 = tpu.memref_squeeze %dma_wait3A_84 : memref<1x128xi32, #tpu.memory_space<vmem>> -> memref<128xi32, #tpu.memory_space<vmem>>
    %dma_wait3A_86 = arith.constant 0 : i32
    %dma_wait3A_87 = arith.constant 0 : i32
    %dma_wait3A_88 = tpu.memref_slice %arg2[%dma_wait3A_86, %dma_wait3A_87] : memref<262144x128xf32, #tpu.memory_space<hbm>> -> memref<262144x128xf32, #tpu.memory_space<hbm>>
    %dma_wait3A_89 = tpu.memref_slice %arg7[%dma_wait3A_78] : memref<6x!tpu.dma_semaphore, #tpu.memory_space<semaphore_mem>> -> memref<1x!tpu.dma_semaphore, #tpu.memory_space<semaphore_mem>>
    %dma_wait3A_90 = tpu.memref_squeeze %dma_wait3A_89 : memref<1x!tpu.dma_semaphore, #tpu.memory_space<semaphore_mem>> -> memref<!tpu.dma_semaphore, #tpu.memory_space<semaphore_mem>>
    tpu.wait_indirect_dma semaphore(%dma_wait3A_90 : memref<!tpu.dma_semaphore, #tpu.memory_space<semaphore_mem>>) src(%dma_wait3A_88 : memref<262144x128xf32, #tpu.memory_space<hbm>>) dst(%dma_wait3A_82 : memref<128x128xf32, #tpu.memory_space<vmem>>)
    %add3A_91 = arith.constant 0 : i32
    %add3A_92 = arith.addi %mul3A_2, %add3A_91 : i32
    %dma_start3A_93 = arith.constant 0 : i32
    %dma_start3A_94 = arith.constant 0 : i32
    %dma_start3A_95 = arith.constant 0 : i32
    %dma_start3A_96 = arith.constant 0 : i32
    %dma_start3A_97 = tpu.memref_slice %arg6[%dma_start3A_93, %dma_start3A_95, %dma_start3A_96] : memref<6x128x128xf32, #tpu.memory_space<vmem>> -> memref<1x128x128xf32, #tpu.memory_space<vmem>>
    %dma_start3A_98 = tpu.memref_squeeze %dma_start3A_97 : memref<1x128x128xf32, #tpu.memory_space<vmem>> -> memref<128x128xf32, #tpu.memory_space<vmem>>
    %dma_start3A_99 = arith.constant 0 : i32
    %dma_start3A_100 = tpu.memref_slice %arg4[%add3A_92, %dma_start3A_99] : memref<65536x128xf32, #tpu.memory_space<hbm>> -> memref<128x128xf32, #tpu.memory_space<hbm>>
    %dma_start3A_101 = tpu.memref_slice %arg8[%dma_start3A_94] : memref<6x!tpu.dma_semaphore, #tpu.memory_space<semaphore_mem>> -> memref<1x!tpu.dma_semaphore, #tpu.memory_space<semaphore_mem>>
    %dma_start3A_102 = tpu.memref_squeeze %dma_start3A_101 : memref<1x!tpu.dma_semaphore, #tpu.memory_space<semaphore_mem>> -> memref<!tpu.dma_semaphore, #tpu.memory_space<semaphore_mem>>
    %dma_start3A_103 = arith.constant 0 : i32
    %dma_start3A_104 = tpu.memref_slice %arg4[%add3A_92, %dma_start3A_103] : memref<65536x128xf32, #tpu.memory_space<hbm>> -> memref<128x128xf32, #tpu.memory_space<hbm>>
    %dma_start3A_105 = arith.constant 0 : i32
    %dma_start3A_106 = arith.constant 0 : i32
    %dma_start3A_107 = tpu.memref_slice %arg6[%dma_start3A_93, %dma_start3A_105, %dma_start3A_106] : memref<6x128x128xf32, #tpu.memory_space<vmem>> -> memref<1x128x128xf32, #tpu.memory_space<vmem>>
    %dma_start3A_108 = tpu.memref_squeeze %dma_start3A_107 : memref<1x128x128xf32, #tpu.memory_space<vmem>> -> memref<128x128xf32, #tpu.memory_space<vmem>>
    tpu.enqueue_dma source(%dma_start3A_108 : memref<128x128xf32, #tpu.memory_space<vmem>>) target(%dma_start3A_104 : memref<128x128xf32, #tpu.memory_space<hbm>>) target_semaphore(%dma_start3A_102 : memref<!tpu.dma_semaphore, #tpu.memory_space<semaphore_mem>>)
    %dma_start3A_109 = arith.constant 5 : i32
    %dma_start3A_110 = arith.constant 5 : i32
    %dma_start3A_111 = arith.constant 5 : i32
    %dma_start3A_112 = arith.constant 0 : i32
    %dma_start3A_113 = arith.constant 0 : i32
    %dma_start3A_114 = tpu.memref_slice %arg6[%dma_start3A_110, %dma_start3A_112, %dma_start3A_113] : memref<6x128x128xf32, #tpu.memory_space<vmem>> -> memref<1x128x128xf32, #tpu.memory_space<vmem>>
    %dma_start3A_115 = tpu.memref_squeeze %dma_start3A_114 : memref<1x128x128xf32, #tpu.memory_space<vmem>> -> memref<128x128xf32, #tpu.memory_space<vmem>>
    %dma_start3A_116 = arith.constant 0 : i32
    %dma_start3A_117 = tpu.memref_slice %arg5[%dma_start3A_109, %dma_start3A_116] : memref<16x128xi32, #tpu.memory_space<vmem>> -> memref<1x128xi32, #tpu.memory_space<vmem>>
    %dma_start3A_118 = tpu.memref_squeeze %dma_start3A_117 : memref<1x128xi32, #tpu.memory_space<vmem>> -> memref<128xi32, #tpu.memory_space<vmem>>
    %dma_start3A_119 = arith.constant 0 : i32
    %dma_start3A_120 = arith.constant 0 : i32
    %dma_start3A_121 = tpu.memref_slice %arg2[%dma_start3A_119, %dma_start3A_120] : memref<262144x128xf32, #tpu.memory_space<hbm>> -> memref<262144x128xf32, #tpu.memory_space<hbm>>
    %dma_start3A_122 = tpu.memref_slice %arg7[%dma_start3A_111] : memref<6x!tpu.dma_semaphore, #tpu.memory_space<semaphore_mem>> -> memref<1x!tpu.dma_semaphore, #tpu.memory_space<semaphore_mem>>
    %dma_start3A_123 = tpu.memref_squeeze %dma_start3A_122 : memref<1x!tpu.dma_semaphore, #tpu.memory_space<semaphore_mem>> -> memref<!tpu.dma_semaphore, #tpu.memory_space<semaphore_mem>>
    tpu.enqueue_indirect_dma source(%dma_start3A_121 : memref<262144x128xf32, #tpu.memory_space<hbm>>) target(%dma_start3A_115 : memref<128x128xf32, #tpu.memory_space<vmem>>) offsets(%dma_start3A_118 : memref<128xi32, #tpu.memory_space<vmem>>) semaphore(%dma_start3A_123 : memref<!tpu.dma_semaphore, #tpu.memory_space<semaphore_mem>>)
    %dma_wait3A_124 = arith.constant 1 : i32
    %dma_wait3A_125 = arith.constant 1 : i32
    %dma_wait3A_126 = arith.constant 1 : i32
    %dma_wait3A_127 = arith.constant 0 : i32
    %dma_wait3A_128 = arith.constant 0 : i32
    %dma_wait3A_129 = tpu.memref_slice %arg6[%dma_wait3A_125, %dma_wait3A_127, %dma_wait3A_128] : memref<6x128x128xf32, #tpu.memory_space<vmem>> -> memref<1x128x128xf32, #tpu.memory_space<vmem>>
    %dma_wait3A_130 = tpu.memref_squeeze %dma_wait3A_129 : memref<1x128x128xf32, #tpu.memory_space<vmem>> -> memref<128x128xf32, #tpu.memory_space<vmem>>
    %dma_wait3A_131 = arith.constant 0 : i32
    %dma_wait3A_132 = tpu.memref_slice %arg5[%dma_wait3A_124, %dma_wait3A_131] : memref<16x128xi32, #tpu.memory_space<vmem>> -> memref<1x128xi32, #tpu.memory_space<vmem>>
    %dma_wait3A_133 = tpu.memref_squeeze %dma_wait3A_132 : memref<1x128xi32, #tpu.memory_space<vmem>> -> memref<128xi32, #tpu.memory_space<vmem>>
    %dma_wait3A_134 = arith.constant 0 : i32
    %dma_wait3A_135 = arith.constant 0 : i32
    %dma_wait3A_136 = tpu.memref_slice %arg2[%dma_wait3A_134, %dma_wait3A_135] : memref<262144x128xf32, #tpu.memory_space<hbm>> -> memref<262144x128xf32, #tpu.memory_space<hbm>>
    %dma_wait3A_137 = tpu.memref_slice %arg7[%dma_wait3A_126] : memref<6x!tpu.dma_semaphore, #tpu.memory_space<semaphore_mem>> -> memref<1x!tpu.dma_semaphore, #tpu.memory_space<semaphore_mem>>
    %dma_wait3A_138 = tpu.memref_squeeze %dma_wait3A_137 : memref<1x!tpu.dma_semaphore, #tpu.memory_space<semaphore_mem>> -> memref<!tpu.dma_semaphore, #tpu.memory_space<semaphore_mem>>
    tpu.wait_indirect_dma semaphore(%dma_wait3A_138 : memref<!tpu.dma_semaphore, #tpu.memory_space<semaphore_mem>>) src(%dma_wait3A_136 : memref<262144x128xf32, #tpu.memory_space<hbm>>) dst(%dma_wait3A_130 : memref<128x128xf32, #tpu.memory_space<vmem>>)
    %add3A_139 = arith.constant 128 : i32
    %add3A_140 = arith.addi %mul3A_2, %add3A_139 : i32
    %dma_start3A_141 = arith.constant 1 : i32
    %dma_start3A_142 = arith.constant 1 : i32
    %dma_start3A_143 = arith.constant 0 : i32
    %dma_start3A_144 = arith.constant 0 : i32
    %dma_start3A_145 = tpu.memref_slice %arg6[%dma_start3A_141, %dma_start3A_143, %dma_start3A_144] : memref<6x128x128xf32, #tpu.memory_space<vmem>> -> memref<1x128x128xf32, #tpu.memory_space<vmem>>
    %dma_start3A_146 = tpu.memref_squeeze %dma_start3A_145 : memref<1x128x128xf32, #tpu.memory_space<vmem>> -> memref<128x128xf32, #tpu.memory_space<vmem>>
    %dma_start3A_147 = arith.constant 0 : i32
    %dma_start3A_148 = tpu.memref_slice %arg4[%add3A_140, %dma_start3A_147] : memref<65536x128xf32, #tpu.memory_space<hbm>> -> memref<128x128xf32, #tpu.memory_space<hbm>>
    %dma_start3A_149 = tpu.memref_slice %arg8[%dma_start3A_142] : memref<6x!tpu.dma_semaphore, #tpu.memory_space<semaphore_mem>> -> memref<1x!tpu.dma_semaphore, #tpu.memory_space<semaphore_mem>>
    %dma_start3A_150 = tpu.memref_squeeze %dma_start3A_149 : memref<1x!tpu.dma_semaphore, #tpu.memory_space<semaphore_mem>> -> memref<!tpu.dma_semaphore, #tpu.memory_space<semaphore_mem>>
    %dma_start3A_151 = arith.constant 0 : i32
    %dma_start3A_152 = tpu.memref_slice %arg4[%add3A_140, %dma_start3A_151] : memref<65536x128xf32, #tpu.memory_space<hbm>> -> memref<128x128xf32, #tpu.memory_space<hbm>>
    %dma_start3A_153 = arith.constant 0 : i32
    %dma_start3A_154 = arith.constant 0 : i32
    %dma_start3A_155 = tpu.memref_slice %arg6[%dma_start3A_141, %dma_start3A_153, %dma_start3A_154] : memref<6x128x128xf32, #tpu.memory_space<vmem>> -> memref<1x128x128xf32, #tpu.memory_space<vmem>>
    %dma_start3A_156 = tpu.memref_squeeze %dma_start3A_155 : memref<1x128x128xf32, #tpu.memory_space<vmem>> -> memref<128x128xf32, #tpu.memory_space<vmem>>
    tpu.enqueue_dma source(%dma_start3A_156 : memref<128x128xf32, #tpu.memory_space<vmem>>) target(%dma_start3A_152 : memref<128x128xf32, #tpu.memory_space<hbm>>) target_semaphore(%dma_start3A_150 : memref<!tpu.dma_semaphore, #tpu.memory_space<semaphore_mem>>)
    %add3A_157 = arith.constant 0 : i32
    %add3A_158 = arith.addi %mul3A_2, %add3A_157 : i32
    %dma_wait3A_159 = arith.constant 0 : i32
    %dma_wait3A_160 = arith.constant 0 : i32
    %dma_wait3A_161 = arith.constant 0 : i32
    %dma_wait3A_162 = arith.constant 0 : i32
    %dma_wait3A_163 = tpu.memref_slice %arg6[%dma_wait3A_159, %dma_wait3A_161, %dma_wait3A_162] : memref<6x128x128xf32, #tpu.memory_space<vmem>> -> memref<1x128x128xf32, #tpu.memory_space<vmem>>
    %dma_wait3A_164 = tpu.memref_squeeze %dma_wait3A_163 : memref<1x128x128xf32, #tpu.memory_space<vmem>> -> memref<128x128xf32, #tpu.memory_space<vmem>>
    %dma_wait3A_165 = arith.constant 0 : i32
    %dma_wait3A_166 = tpu.memref_slice %arg4[%add3A_158, %dma_wait3A_165] : memref<65536x128xf32, #tpu.memory_space<hbm>> -> memref<128x128xf32, #tpu.memory_space<hbm>>
    %dma_wait3A_167 = tpu.memref_slice %arg8[%dma_wait3A_160] : memref<6x!tpu.dma_semaphore, #tpu.memory_space<semaphore_mem>> -> memref<1x!tpu.dma_semaphore, #tpu.memory_space<semaphore_mem>>
    %dma_wait3A_168 = tpu.memref_squeeze %dma_wait3A_167 : memref<1x!tpu.dma_semaphore, #tpu.memory_space<semaphore_mem>> -> memref<!tpu.dma_semaphore, #tpu.memory_space<semaphore_mem>>
    %dma_wait3A_169 = arith.constant 0 : i32
    %dma_wait3A_170 = tpu.memref_slice %arg4[%add3A_158, %dma_wait3A_169] : memref<65536x128xf32, #tpu.memory_space<hbm>> -> memref<128x128xf32, #tpu.memory_space<hbm>>
    %dma_wait3A_171 = arith.constant 0 : i32
    %dma_wait3A_172 = arith.constant 0 : i32
    %dma_wait3A_173 = tpu.memref_slice %arg6[%dma_wait3A_159, %dma_wait3A_171, %dma_wait3A_172] : memref<6x128x128xf32, #tpu.memory_space<vmem>> -> memref<1x128x128xf32, #tpu.memory_space<vmem>>
    %dma_wait3A_174 = tpu.memref_squeeze %dma_wait3A_173 : memref<1x128x128xf32, #tpu.memory_space<vmem>> -> memref<128x128xf32, #tpu.memory_space<vmem>>
    tpu.wait_dma2 semaphore(%dma_wait3A_168 : memref<!tpu.dma_semaphore, #tpu.memory_space<semaphore_mem>>) src(%dma_wait3A_174 : memref<128x128xf32, #tpu.memory_space<vmem>>) dst(%dma_wait3A_170 : memref<128x128xf32, #tpu.memory_space<hbm>>)
    %dma_start3A_175 = arith.constant 6 : i32
    %dma_start3A_176 = arith.constant 0 : i32
    %dma_start3A_177 = arith.constant 0 : i32
    %dma_start3A_178 = arith.constant 0 : i32
    %dma_start3A_179 = arith.constant 0 : i32
    %dma_start3A_180 = tpu.memref_slice %arg6[%dma_start3A_176, %dma_start3A_178, %dma_start3A_179] : memref<6x128x128xf32, #tpu.memory_space<vmem>> -> memref<1x128x128xf32, #tpu.memory_space<vmem>>
    %dma_start3A_181 = tpu.memref_squeeze %dma_start3A_180 : memref<1x128x128xf32, #tpu.memory_space<vmem>> -> memref<128x128xf32, #tpu.memory_space<vmem>>
    %dma_start3A_182 = arith.constant 0 : i32
    %dma_start3A_183 = tpu.memref_slice %arg5[%dma_start3A_175, %dma_start3A_182] : memref<16x128xi32, #tpu.memory_space<vmem>> -> memref<1x128xi32, #tpu.memory_space<vmem>>
    %dma_start3A_184 = tpu.memref_squeeze %dma_start3A_183 : memref<1x128xi32, #tpu.memory_space<vmem>> -> memref<128xi32, #tpu.memory_space<vmem>>
    %dma_start3A_185 = arith.constant 0 : i32
    %dma_start3A_186 = arith.constant 0 : i32
    %dma_start3A_187 = tpu.memref_slice %arg2[%dma_start3A_185, %dma_start3A_186] : memref<262144x128xf32, #tpu.memory_space<hbm>> -> memref<262144x128xf32, #tpu.memory_space<hbm>>
    %dma_start3A_188 = tpu.memref_slice %arg7[%dma_start3A_177] : memref<6x!tpu.dma_semaphore, #tpu.memory_space<semaphore_mem>> -> memref<1x!tpu.dma_semaphore, #tpu.memory_space<semaphore_mem>>
    %dma_start3A_189 = tpu.memref_squeeze %dma_start3A_188 : memref<1x!tpu.dma_semaphore, #tpu.memory_space<semaphore_mem>> -> memref<!tpu.dma_semaphore, #tpu.memory_space<semaphore_mem>>
    tpu.enqueue_indirect_dma source(%dma_start3A_187 : memref<262144x128xf32, #tpu.memory_space<hbm>>) target(%dma_start3A_181 : memref<128x128xf32, #tpu.memory_space<vmem>>) offsets(%dma_start3A_184 : memref<128xi32, #tpu.memory_space<vmem>>) semaphore(%dma_start3A_189 : memref<!tpu.dma_semaphore, #tpu.memory_space<semaphore_mem>>)
    %dma_wait3A_190 = arith.constant 2 : i32
    %dma_wait3A_191 = arith.constant 2 : i32
    %dma_wait3A_192 = arith.constant 2 : i32
    %dma_wait3A_193 = arith.constant 0 : i32
    %dma_wait3A_194 = arith.constant 0 : i32
    %dma_wait3A_195 = tpu.memref_slice %arg6[%dma_wait3A_191, %dma_wait3A_193, %dma_wait3A_194] : memref<6x128x128xf32, #tpu.memory_space<vmem>> -> memref<1x128x128xf32, #tpu.memory_space<vmem>>
    %dma_wait3A_196 = tpu.memref_squeeze %dma_wait3A_195 : memref<1x128x128xf32, #tpu.memory_space<vmem>> -> memref<128x128xf32, #tpu.memory_space<vmem>>
    %dma_wait3A_197 = arith.constant 0 : i32
    %dma_wait3A_198 = tpu.memref_slice %arg5[%dma_wait3A_190, %dma_wait3A_197] : memref<16x128xi32, #tpu.memory_space<vmem>> -> memref<1x128xi32, #tpu.memory_space<vmem>>
    %dma_wait3A_199 = tpu.memref_squeeze %dma_wait3A_198 : memref<1x128xi32, #tpu.memory_space<vmem>> -> memref<128xi32, #tpu.memory_space<vmem>>
    %dma_wait3A_200 = arith.constant 0 : i32
    %dma_wait3A_201 = arith.constant 0 : i32
    %dma_wait3A_202 = tpu.memref_slice %arg2[%dma_wait3A_200, %dma_wait3A_201] : memref<262144x128xf32, #tpu.memory_space<hbm>> -> memref<262144x128xf32, #tpu.memory_space<hbm>>
    %dma_wait3A_203 = tpu.memref_slice %arg7[%dma_wait3A_192] : memref<6x!tpu.dma_semaphore, #tpu.memory_space<semaphore_mem>> -> memref<1x!tpu.dma_semaphore, #tpu.memory_space<semaphore_mem>>
    %dma_wait3A_204 = tpu.memref_squeeze %dma_wait3A_203 : memref<1x!tpu.dma_semaphore, #tpu.memory_space<semaphore_mem>> -> memref<!tpu.dma_semaphore, #tpu.memory_space<semaphore_mem>>
    tpu.wait_indirect_dma semaphore(%dma_wait3A_204 : memref<!tpu.dma_semaphore, #tpu.memory_space<semaphore_mem>>) src(%dma_wait3A_202 : memref<262144x128xf32, #tpu.memory_space<hbm>>) dst(%dma_wait3A_196 : memref<128x128xf32, #tpu.memory_space<vmem>>)
    %add3A_205 = arith.constant 256 : i32
    %add3A_206 = arith.addi %mul3A_2, %add3A_205 : i32
    %dma_start3A_207 = arith.constant 2 : i32
    %dma_start3A_208 = arith.constant 2 : i32
    %dma_start3A_209 = arith.constant 0 : i32
    %dma_start3A_210 = arith.constant 0 : i32
    %dma_start3A_211 = tpu.memref_slice %arg6[%dma_start3A_207, %dma_start3A_209, %dma_start3A_210] : memref<6x128x128xf32, #tpu.memory_space<vmem>> -> memref<1x128x128xf32, #tpu.memory_space<vmem>>
    %dma_start3A_212 = tpu.memref_squeeze %dma_start3A_211 : memref<1x128x128xf32, #tpu.memory_space<vmem>> -> memref<128x128xf32, #tpu.memory_space<vmem>>
    %dma_start3A_213 = arith.constant 0 : i32
    %dma_start3A_214 = tpu.memref_slice %arg4[%add3A_206, %dma_start3A_213] : memref<65536x128xf32, #tpu.memory_space<hbm>> -> memref<128x128xf32, #tpu.memory_space<hbm>>
    %dma_start3A_215 = tpu.memref_slice %arg8[%dma_start3A_208] : memref<6x!tpu.dma_semaphore, #tpu.memory_space<semaphore_mem>> -> memref<1x!tpu.dma_semaphore, #tpu.memory_space<semaphore_mem>>
    %dma_start3A_216 = tpu.memref_squeeze %dma_start3A_215 : memref<1x!tpu.dma_semaphore, #tpu.memory_space<semaphore_mem>> -> memref<!tpu.dma_semaphore, #tpu.memory_space<semaphore_mem>>
    %dma_start3A_217 = arith.constant 0 : i32
    %dma_start3A_218 = tpu.memref_slice %arg4[%add3A_206, %dma_start3A_217] : memref<65536x128xf32, #tpu.memory_space<hbm>> -> memref<128x128xf32, #tpu.memory_space<hbm>>
    %dma_start3A_219 = arith.constant 0 : i32
    %dma_start3A_220 = arith.constant 0 : i32
    %dma_start3A_221 = tpu.memref_slice %arg6[%dma_start3A_207, %dma_start3A_219, %dma_start3A_220] : memref<6x128x128xf32, #tpu.memory_space<vmem>> -> memref<1x128x128xf32, #tpu.memory_space<vmem>>
    %dma_start3A_222 = tpu.memref_squeeze %dma_start3A_221 : memref<1x128x128xf32, #tpu.memory_space<vmem>> -> memref<128x128xf32, #tpu.memory_space<vmem>>
    tpu.enqueue_dma source(%dma_start3A_222 : memref<128x128xf32, #tpu.memory_space<vmem>>) target(%dma_start3A_218 : memref<128x128xf32, #tpu.memory_space<hbm>>) target_semaphore(%dma_start3A_216 : memref<!tpu.dma_semaphore, #tpu.memory_space<semaphore_mem>>)
    %add3A_223 = arith.constant 128 : i32
    %add3A_224 = arith.addi %mul3A_2, %add3A_223 : i32
    %dma_wait3A_225 = arith.constant 1 : i32
    %dma_wait3A_226 = arith.constant 1 : i32
    %dma_wait3A_227 = arith.constant 0 : i32
    %dma_wait3A_228 = arith.constant 0 : i32
    %dma_wait3A_229 = tpu.memref_slice %arg6[%dma_wait3A_225, %dma_wait3A_227, %dma_wait3A_228] : memref<6x128x128xf32, #tpu.memory_space<vmem>> -> memref<1x128x128xf32, #tpu.memory_space<vmem>>
    %dma_wait3A_230 = tpu.memref_squeeze %dma_wait3A_229 : memref<1x128x128xf32, #tpu.memory_space<vmem>> -> memref<128x128xf32, #tpu.memory_space<vmem>>
    %dma_wait3A_231 = arith.constant 0 : i32
    %dma_wait3A_232 = tpu.memref_slice %arg4[%add3A_224, %dma_wait3A_231] : memref<65536x128xf32, #tpu.memory_space<hbm>> -> memref<128x128xf32, #tpu.memory_space<hbm>>
    %dma_wait3A_233 = tpu.memref_slice %arg8[%dma_wait3A_226] : memref<6x!tpu.dma_semaphore, #tpu.memory_space<semaphore_mem>> -> memref<1x!tpu.dma_semaphore, #tpu.memory_space<semaphore_mem>>
    %dma_wait3A_234 = tpu.memref_squeeze %dma_wait3A_233 : memref<1x!tpu.dma_semaphore, #tpu.memory_space<semaphore_mem>> -> memref<!tpu.dma_semaphore, #tpu.memory_space<semaphore_mem>>
    %dma_wait3A_235 = arith.constant 0 : i32
    %dma_wait3A_236 = tpu.memref_slice %arg4[%add3A_224, %dma_wait3A_235] : memref<65536x128xf32, #tpu.memory_space<hbm>> -> memref<128x128xf32, #tpu.memory_space<hbm>>
    %dma_wait3A_237 = arith.constant 0 : i32
    %dma_wait3A_238 = arith.constant 0 : i32
    %dma_wait3A_239 = tpu.memref_slice %arg6[%dma_wait3A_225, %dma_wait3A_237, %dma_wait3A_238] : memref<6x128x128xf32, #tpu.memory_space<vmem>> -> memref<1x128x128xf32, #tpu.memory_space<vmem>>
    %dma_wait3A_240 = tpu.memref_squeeze %dma_wait3A_239 : memref<1x128x128xf32, #tpu.memory_space<vmem>> -> memref<128x128xf32, #tpu.memory_space<vmem>>
    tpu.wait_dma2 semaphore(%dma_wait3A_234 : memref<!tpu.dma_semaphore, #tpu.memory_space<semaphore_mem>>) src(%dma_wait3A_240 : memref<128x128xf32, #tpu.memory_space<vmem>>) dst(%dma_wait3A_236 : memref<128x128xf32, #tpu.memory_space<hbm>>)
    %dma_start3A_241 = arith.constant 7 : i32
    %dma_start3A_242 = arith.constant 1 : i32
    %dma_start3A_243 = arith.constant 1 : i32
    %dma_start3A_244 = arith.constant 0 : i32
    %dma_start3A_245 = arith.constant 0 : i32
    %dma_start3A_246 = tpu.memref_slice %arg6[%dma_start3A_242, %dma_start3A_244, %dma_start3A_245] : memref<6x128x128xf32, #tpu.memory_space<vmem>> -> memref<1x128x128xf32, #tpu.memory_space<vmem>>
    %dma_start3A_247 = tpu.memref_squeeze %dma_start3A_246 : memref<1x128x128xf32, #tpu.memory_space<vmem>> -> memref<128x128xf32, #tpu.memory_space<vmem>>
    %dma_start3A_248 = arith.constant 0 : i32
    %dma_start3A_249 = tpu.memref_slice %arg5[%dma_start3A_241, %dma_start3A_248] : memref<16x128xi32, #tpu.memory_space<vmem>> -> memref<1x128xi32, #tpu.memory_space<vmem>>
    %dma_start3A_250 = tpu.memref_squeeze %dma_start3A_249 : memref<1x128xi32, #tpu.memory_space<vmem>> -> memref<128xi32, #tpu.memory_space<vmem>>
    %dma_start3A_251 = arith.constant 0 : i32
    %dma_start3A_252 = arith.constant 0 : i32
    %dma_start3A_253 = tpu.memref_slice %arg2[%dma_start3A_251, %dma_start3A_252] : memref<262144x128xf32, #tpu.memory_space<hbm>> -> memref<262144x128xf32, #tpu.memory_space<hbm>>
    %dma_start3A_254 = tpu.memref_slice %arg7[%dma_start3A_243] : memref<6x!tpu.dma_semaphore, #tpu.memory_space<semaphore_mem>> -> memref<1x!tpu.dma_semaphore, #tpu.memory_space<semaphore_mem>>
    %dma_start3A_255 = tpu.memref_squeeze %dma_start3A_254 : memref<1x!tpu.dma_semaphore, #tpu.memory_space<semaphore_mem>> -> memref<!tpu.dma_semaphore, #tpu.memory_space<semaphore_mem>>
    tpu.enqueue_indirect_dma source(%dma_start3A_253 : memref<262144x128xf32, #tpu.memory_space<hbm>>) target(%dma_start3A_247 : memref<128x128xf32, #tpu.memory_space<vmem>>) offsets(%dma_start3A_250 : memref<128xi32, #tpu.memory_space<vmem>>) semaphore(%dma_start3A_255 : memref<!tpu.dma_semaphore, #tpu.memory_space<semaphore_mem>>)
    %dma_wait3A_256 = arith.constant 3 : i32
    %dma_wait3A_257 = arith.constant 3 : i32
    %dma_wait3A_258 = arith.constant 3 : i32
    %dma_wait3A_259 = arith.constant 0 : i32
    %dma_wait3A_260 = arith.constant 0 : i32
    %dma_wait3A_261 = tpu.memref_slice %arg6[%dma_wait3A_257, %dma_wait3A_259, %dma_wait3A_260] : memref<6x128x128xf32, #tpu.memory_space<vmem>> -> memref<1x128x128xf32, #tpu.memory_space<vmem>>
    %dma_wait3A_262 = tpu.memref_squeeze %dma_wait3A_261 : memref<1x128x128xf32, #tpu.memory_space<vmem>> -> memref<128x128xf32, #tpu.memory_space<vmem>>
    %dma_wait3A_263 = arith.constant 0 : i32
    %dma_wait3A_264 = tpu.memref_slice %arg5[%dma_wait3A_256, %dma_wait3A_263] : memref<16x128xi32, #tpu.memory_space<vmem>> -> memref<1x128xi32, #tpu.memory_space<vmem>>
    %dma_wait3A_265 = tpu.memref_squeeze %dma_wait3A_264 : memref<1x128xi32, #tpu.memory_space<vmem>> -> memref<128xi32, #tpu.memory_space<vmem>>
    %dma_wait3A_266 = arith.constant 0 : i32
    %dma_wait3A_267 = arith.constant 0 : i32
    %dma_wait3A_268 = tpu.memref_slice %arg2[%dma_wait3A_266, %dma_wait3A_267] : memref<262144x128xf32, #tpu.memory_space<hbm>> -> memref<262144x128xf32, #tpu.memory_space<hbm>>
    %dma_wait3A_269 = tpu.memref_slice %arg7[%dma_wait3A_258] : memref<6x!tpu.dma_semaphore, #tpu.memory_space<semaphore_mem>> -> memref<1x!tpu.dma_semaphore, #tpu.memory_space<semaphore_mem>>
    %dma_wait3A_270 = tpu.memref_squeeze %dma_wait3A_269 : memref<1x!tpu.dma_semaphore, #tpu.memory_space<semaphore_mem>> -> memref<!tpu.dma_semaphore, #tpu.memory_space<semaphore_mem>>
    tpu.wait_indirect_dma semaphore(%dma_wait3A_270 : memref<!tpu.dma_semaphore, #tpu.memory_space<semaphore_mem>>) src(%dma_wait3A_268 : memref<262144x128xf32, #tpu.memory_space<hbm>>) dst(%dma_wait3A_262 : memref<128x128xf32, #tpu.memory_space<vmem>>)
    %add3A_271 = arith.constant 384 : i32
    %add3A_272 = arith.addi %mul3A_2, %add3A_271 : i32
    %dma_start3A_273 = arith.constant 3 : i32
    %dma_start3A_274 = arith.constant 3 : i32
    %dma_start3A_275 = arith.constant 0 : i32
    %dma_start3A_276 = arith.constant 0 : i32
    %dma_start3A_277 = tpu.memref_slice %arg6[%dma_start3A_273, %dma_start3A_275, %dma_start3A_276] : memref<6x128x128xf32, #tpu.memory_space<vmem>> -> memref<1x128x128xf32, #tpu.memory_space<vmem>>
    %dma_start3A_278 = tpu.memref_squeeze %dma_start3A_277 : memref<1x128x128xf32, #tpu.memory_space<vmem>> -> memref<128x128xf32, #tpu.memory_space<vmem>>
    %dma_start3A_279 = arith.constant 0 : i32
    %dma_start3A_280 = tpu.memref_slice %arg4[%add3A_272, %dma_start3A_279] : memref<65536x128xf32, #tpu.memory_space<hbm>> -> memref<128x128xf32, #tpu.memory_space<hbm>>
    %dma_start3A_281 = tpu.memref_slice %arg8[%dma_start3A_274] : memref<6x!tpu.dma_semaphore, #tpu.memory_space<semaphore_mem>> -> memref<1x!tpu.dma_semaphore, #tpu.memory_space<semaphore_mem>>
    %dma_start3A_282 = tpu.memref_squeeze %dma_start3A_281 : memref<1x!tpu.dma_semaphore, #tpu.memory_space<semaphore_mem>> -> memref<!tpu.dma_semaphore, #tpu.memory_space<semaphore_mem>>
    %dma_start3A_283 = arith.constant 0 : i32
    %dma_start3A_284 = tpu.memref_slice %arg4[%add3A_272, %dma_start3A_283] : memref<65536x128xf32, #tpu.memory_space<hbm>> -> memref<128x128xf32, #tpu.memory_space<hbm>>
    %dma_start3A_285 = arith.constant 0 : i32
    %dma_start3A_286 = arith.constant 0 : i32
    %dma_start3A_287 = tpu.memref_slice %arg6[%dma_start3A_273, %dma_start3A_285, %dma_start3A_286] : memref<6x128x128xf32, #tpu.memory_space<vmem>> -> memref<1x128x128xf32, #tpu.memory_space<vmem>>
    %dma_start3A_288 = tpu.memref_squeeze %dma_start3A_287 : memref<1x128x128xf32, #tpu.memory_space<vmem>> -> memref<128x128xf32, #tpu.memory_space<vmem>>
    tpu.enqueue_dma source(%dma_start3A_288 : memref<128x128xf32, #tpu.memory_space<vmem>>) target(%dma_start3A_284 : memref<128x128xf32, #tpu.memory_space<hbm>>) target_semaphore(%dma_start3A_282 : memref<!tpu.dma_semaphore, #tpu.memory_space<semaphore_mem>>)
    %add3A_289 = arith.constant 256 : i32
    %add3A_290 = arith.addi %mul3A_2, %add3A_289 : i32
    %dma_wait3A_291 = arith.constant 2 : i32
    %dma_wait3A_292 = arith.constant 2 : i32
    %dma_wait3A_293 = arith.constant 0 : i32
    %dma_wait3A_294 = arith.constant 0 : i32
    %dma_wait3A_295 = tpu.memref_slice %arg6[%dma_wait3A_291, %dma_wait3A_293, %dma_wait3A_294] : memref<6x128x128xf32, #tpu.memory_space<vmem>> -> memref<1x128x128xf32, #tpu.memory_space<vmem>>
    %dma_wait3A_296 = tpu.memref_squeeze %dma_wait3A_295 : memref<1x128x128xf32, #tpu.memory_space<vmem>> -> memref<128x128xf32, #tpu.memory_space<vmem>>
    %dma_wait3A_297 = arith.constant 0 : i32
    %dma_wait3A_298 = tpu.memref_slice %arg4[%add3A_290, %dma_wait3A_297] : memref<65536x128xf32, #tpu.memory_space<hbm>> -> memref<128x128xf32, #tpu.memory_space<hbm>>
    %dma_wait3A_299 = tpu.memref_slice %arg8[%dma_wait3A_292] : memref<6x!tpu.dma_semaphore, #tpu.memory_space<semaphore_mem>> -> memref<1x!tpu.dma_semaphore, #tpu.memory_space<semaphore_mem>>
    %dma_wait3A_300 = tpu.memref_squeeze %dma_wait3A_299 : memref<1x!tpu.dma_semaphore, #tpu.memory_space<semaphore_mem>> -> memref<!tpu.dma_semaphore, #tpu.memory_space<semaphore_mem>>
    %dma_wait3A_301 = arith.constant 0 : i32
    %dma_wait3A_302 = tpu.memref_slice %arg4[%add3A_290, %dma_wait3A_301] : memref<65536x128xf32, #tpu.memory_space<hbm>> -> memref<128x128xf32, #tpu.memory_space<hbm>>
    %dma_wait3A_303 = arith.constant 0 : i32
    %dma_wait3A_304 = arith.constant 0 : i32
    %dma_wait3A_305 = tpu.memref_slice %arg6[%dma_wait3A_291, %dma_wait3A_303, %dma_wait3A_304] : memref<6x128x128xf32, #tpu.memory_space<vmem>> -> memref<1x128x128xf32, #tpu.memory_space<vmem>>
    %dma_wait3A_306 = tpu.memref_squeeze %dma_wait3A_305 : memref<1x128x128xf32, #tpu.memory_space<vmem>> -> memref<128x128xf32, #tpu.memory_space<vmem>>
    tpu.wait_dma2 semaphore(%dma_wait3A_300 : memref<!tpu.dma_semaphore, #tpu.memory_space<semaphore_mem>>) src(%dma_wait3A_306 : memref<128x128xf32, #tpu.memory_space<vmem>>) dst(%dma_wait3A_302 : memref<128x128xf32, #tpu.memory_space<hbm>>)
    %dma_start3A_307 = arith.constant 8 : i32
    %dma_start3A_308 = arith.constant 2 : i32
    %dma_start3A_309 = arith.constant 2 : i32
    %dma_start3A_310 = arith.constant 0 : i32
    %dma_start3A_311 = arith.constant 0 : i32
    %dma_start3A_312 = tpu.memref_slice %arg6[%dma_start3A_308, %dma_start3A_310, %dma_start3A_311] : memref<6x128x128xf32, #tpu.memory_space<vmem>> -> memref<1x128x128xf32, #tpu.memory_space<vmem>>
    %dma_start3A_313 = tpu.memref_squeeze %dma_start3A_312 : memref<1x128x128xf32, #tpu.memory_space<vmem>> -> memref<128x128xf32, #tpu.memory_space<vmem>>
    %dma_start3A_314 = arith.constant 0 : i32
    %dma_start3A_315 = tpu.memref_slice %arg5[%dma_start3A_307, %dma_start3A_314] : memref<16x128xi32, #tpu.memory_space<vmem>> -> memref<1x128xi32, #tpu.memory_space<vmem>>
    %dma_start3A_316 = tpu.memref_squeeze %dma_start3A_315 : memref<1x128xi32, #tpu.memory_space<vmem>> -> memref<128xi32, #tpu.memory_space<vmem>>
    %dma_start3A_317 = arith.constant 0 : i32
    %dma_start3A_318 = arith.constant 0 : i32
    %dma_start3A_319 = tpu.memref_slice %arg2[%dma_start3A_317, %dma_start3A_318] : memref<262144x128xf32, #tpu.memory_space<hbm>> -> memref<262144x128xf32, #tpu.memory_space<hbm>>
    %dma_start3A_320 = tpu.memref_slice %arg7[%dma_start3A_309] : memref<6x!tpu.dma_semaphore, #tpu.memory_space<semaphore_mem>> -> memref<1x!tpu.dma_semaphore, #tpu.memory_space<semaphore_mem>>
    %dma_start3A_321 = tpu.memref_squeeze %dma_start3A_320 : memref<1x!tpu.dma_semaphore, #tpu.memory_space<semaphore_mem>> -> memref<!tpu.dma_semaphore, #tpu.memory_space<semaphore_mem>>
    tpu.enqueue_indirect_dma source(%dma_start3A_319 : memref<262144x128xf32, #tpu.memory_space<hbm>>) target(%dma_start3A_313 : memref<128x128xf32, #tpu.memory_space<vmem>>) offsets(%dma_start3A_316 : memref<128xi32, #tpu.memory_space<vmem>>) semaphore(%dma_start3A_321 : memref<!tpu.dma_semaphore, #tpu.memory_space<semaphore_mem>>)
    %dma_wait3A_322 = arith.constant 4 : i32
    %dma_wait3A_323 = arith.constant 4 : i32
    %dma_wait3A_324 = arith.constant 4 : i32
    %dma_wait3A_325 = arith.constant 0 : i32
    %dma_wait3A_326 = arith.constant 0 : i32
    %dma_wait3A_327 = tpu.memref_slice %arg6[%dma_wait3A_323, %dma_wait3A_325, %dma_wait3A_326] : memref<6x128x128xf32, #tpu.memory_space<vmem>> -> memref<1x128x128xf32, #tpu.memory_space<vmem>>
    %dma_wait3A_328 = tpu.memref_squeeze %dma_wait3A_327 : memref<1x128x128xf32, #tpu.memory_space<vmem>> -> memref<128x128xf32, #tpu.memory_space<vmem>>
    %dma_wait3A_329 = arith.constant 0 : i32
    %dma_wait3A_330 = tpu.memref_slice %arg5[%dma_wait3A_322, %dma_wait3A_329] : memref<16x128xi32, #tpu.memory_space<vmem>> -> memref<1x128xi32, #tpu.memory_space<vmem>>
    %dma_wait3A_331 = tpu.memref_squeeze %dma_wait3A_330 : memref<1x128xi32, #tpu.memory_space<vmem>> -> memref<128xi32, #tpu.memory_space<vmem>>
    %dma_wait3A_332 = arith.constant 0 : i32
    %dma_wait3A_333 = arith.constant 0 : i32
    %dma_wait3A_334 = tpu.memref_slice %arg2[%dma_wait3A_332, %dma_wait3A_333] : memref<262144x128xf32, #tpu.memory_space<hbm>> -> memref<262144x128xf32, #tpu.memory_space<hbm>>
    %dma_wait3A_335 = tpu.memref_slice %arg7[%dma_wait3A_324] : memref<6x!tpu.dma_semaphore, #tpu.memory_space<semaphore_mem>> -> memref<1x!tpu.dma_semaphore, #tpu.memory_space<semaphore_mem>>
    %dma_wait3A_336 = tpu.memref_squeeze %dma_wait3A_335 : memref<1x!tpu.dma_semaphore, #tpu.memory_space<semaphore_mem>> -> memref<!tpu.dma_semaphore, #tpu.memory_space<semaphore_mem>>
    tpu.wait_indirect_dma semaphore(%dma_wait3A_336 : memref<!tpu.dma_semaphore, #tpu.memory_space<semaphore_mem>>) src(%dma_wait3A_334 : memref<262144x128xf32, #tpu.memory_space<hbm>>) dst(%dma_wait3A_328 : memref<128x128xf32, #tpu.memory_space<vmem>>)
    %add3A_337 = arith.constant 512 : i32
    %add3A_338 = arith.addi %mul3A_2, %add3A_337 : i32
    %dma_start3A_339 = arith.constant 4 : i32
    %dma_start3A_340 = arith.constant 4 : i32
    %dma_start3A_341 = arith.constant 0 : i32
    %dma_start3A_342 = arith.constant 0 : i32
    %dma_start3A_343 = tpu.memref_slice %arg6[%dma_start3A_339, %dma_start3A_341, %dma_start3A_342] : memref<6x128x128xf32, #tpu.memory_space<vmem>> -> memref<1x128x128xf32, #tpu.memory_space<vmem>>
    %dma_start3A_344 = tpu.memref_squeeze %dma_start3A_343 : memref<1x128x128xf32, #tpu.memory_space<vmem>> -> memref<128x128xf32, #tpu.memory_space<vmem>>
    %dma_start3A_345 = arith.constant 0 : i32
    %dma_start3A_346 = tpu.memref_slice %arg4[%add3A_338, %dma_start3A_345] : memref<65536x128xf32, #tpu.memory_space<hbm>> -> memref<128x128xf32, #tpu.memory_space<hbm>>
    %dma_start3A_347 = tpu.memref_slice %arg8[%dma_start3A_340] : memref<6x!tpu.dma_semaphore, #tpu.memory_space<semaphore_mem>> -> memref<1x!tpu.dma_semaphore, #tpu.memory_space<semaphore_mem>>
    %dma_start3A_348 = tpu.memref_squeeze %dma_start3A_347 : memref<1x!tpu.dma_semaphore, #tpu.memory_space<semaphore_mem>> -> memref<!tpu.dma_semaphore, #tpu.memory_space<semaphore_mem>>
    %dma_start3A_349 = arith.constant 0 : i32
    %dma_start3A_350 = tpu.memref_slice %arg4[%add3A_338, %dma_start3A_349] : memref<65536x128xf32, #tpu.memory_space<hbm>> -> memref<128x128xf32, #tpu.memory_space<hbm>>
    %dma_start3A_351 = arith.constant 0 : i32
    %dma_start3A_352 = arith.constant 0 : i32
    %dma_start3A_353 = tpu.memref_slice %arg6[%dma_start3A_339, %dma_start3A_351, %dma_start3A_352] : memref<6x128x128xf32, #tpu.memory_space<vmem>> -> memref<1x128x128xf32, #tpu.memory_space<vmem>>
    %dma_start3A_354 = tpu.memref_squeeze %dma_start3A_353 : memref<1x128x128xf32, #tpu.memory_space<vmem>> -> memref<128x128xf32, #tpu.memory_space<vmem>>
    tpu.enqueue_dma source(%dma_start3A_354 : memref<128x128xf32, #tpu.memory_space<vmem>>) target(%dma_start3A_350 : memref<128x128xf32, #tpu.memory_space<hbm>>) target_semaphore(%dma_start3A_348 : memref<!tpu.dma_semaphore, #tpu.memory_space<semaphore_mem>>)
    %add3A_355 = arith.constant 384 : i32
    %add3A_356 = arith.addi %mul3A_2, %add3A_355 : i32
    %dma_wait3A_357 = arith.constant 3 : i32
    %dma_wait3A_358 = arith.constant 3 : i32
    %dma_wait3A_359 = arith.constant 0 : i32
    %dma_wait3A_360 = arith.constant 0 : i32
    %dma_wait3A_361 = tpu.memref_slice %arg6[%dma_wait3A_357, %dma_wait3A_359, %dma_wait3A_360] : memref<6x128x128xf32, #tpu.memory_space<vmem>> -> memref<1x128x128xf32, #tpu.memory_space<vmem>>
    %dma_wait3A_362 = tpu.memref_squeeze %dma_wait3A_361 : memref<1x128x128xf32, #tpu.memory_space<vmem>> -> memref<128x128xf32, #tpu.memory_space<vmem>>
    %dma_wait3A_363 = arith.constant 0 : i32
    %dma_wait3A_364 = tpu.memref_slice %arg4[%add3A_356, %dma_wait3A_363] : memref<65536x128xf32, #tpu.memory_space<hbm>> -> memref<128x128xf32, #tpu.memory_space<hbm>>
    %dma_wait3A_365 = tpu.memref_slice %arg8[%dma_wait3A_358] : memref<6x!tpu.dma_semaphore, #tpu.memory_space<semaphore_mem>> -> memref<1x!tpu.dma_semaphore, #tpu.memory_space<semaphore_mem>>
    %dma_wait3A_366 = tpu.memref_squeeze %dma_wait3A_365 : memref<1x!tpu.dma_semaphore, #tpu.memory_space<semaphore_mem>> -> memref<!tpu.dma_semaphore, #tpu.memory_space<semaphore_mem>>
    %dma_wait3A_367 = arith.constant 0 : i32
    %dma_wait3A_368 = tpu.memref_slice %arg4[%add3A_356, %dma_wait3A_367] : memref<65536x128xf32, #tpu.memory_space<hbm>> -> memref<128x128xf32, #tpu.memory_space<hbm>>
    %dma_wait3A_369 = arith.constant 0 : i32
    %dma_wait3A_370 = arith.constant 0 : i32
    %dma_wait3A_371 = tpu.memref_slice %arg6[%dma_wait3A_357, %dma_wait3A_369, %dma_wait3A_370] : memref<6x128x128xf32, #tpu.memory_space<vmem>> -> memref<1x128x128xf32, #tpu.memory_space<vmem>>
    %dma_wait3A_372 = tpu.memref_squeeze %dma_wait3A_371 : memref<1x128x128xf32, #tpu.memory_space<vmem>> -> memref<128x128xf32, #tpu.memory_space<vmem>>
    tpu.wait_dma2 semaphore(%dma_wait3A_366 : memref<!tpu.dma_semaphore, #tpu.memory_space<semaphore_mem>>) src(%dma_wait3A_372 : memref<128x128xf32, #tpu.memory_space<vmem>>) dst(%dma_wait3A_368 : memref<128x128xf32, #tpu.memory_space<hbm>>)
    %dma_start3A_373 = arith.constant 9 : i32
    %dma_start3A_374 = arith.constant 3 : i32
    %dma_start3A_375 = arith.constant 3 : i32
    %dma_start3A_376 = arith.constant 0 : i32
    %dma_start3A_377 = arith.constant 0 : i32
    %dma_start3A_378 = tpu.memref_slice %arg6[%dma_start3A_374, %dma_start3A_376, %dma_start3A_377] : memref<6x128x128xf32, #tpu.memory_space<vmem>> -> memref<1x128x128xf32, #tpu.memory_space<vmem>>
    %dma_start3A_379 = tpu.memref_squeeze %dma_start3A_378 : memref<1x128x128xf32, #tpu.memory_space<vmem>> -> memref<128x128xf32, #tpu.memory_space<vmem>>
    %dma_start3A_380 = arith.constant 0 : i32
    %dma_start3A_381 = tpu.memref_slice %arg5[%dma_start3A_373, %dma_start3A_380] : memref<16x128xi32, #tpu.memory_space<vmem>> -> memref<1x128xi32, #tpu.memory_space<vmem>>
    %dma_start3A_382 = tpu.memref_squeeze %dma_start3A_381 : memref<1x128xi32, #tpu.memory_space<vmem>> -> memref<128xi32, #tpu.memory_space<vmem>>
    %dma_start3A_383 = arith.constant 0 : i32
    %dma_start3A_384 = arith.constant 0 : i32
    %dma_start3A_385 = tpu.memref_slice %arg2[%dma_start3A_383, %dma_start3A_384] : memref<262144x128xf32, #tpu.memory_space<hbm>> -> memref<262144x128xf32, #tpu.memory_space<hbm>>
    %dma_start3A_386 = tpu.memref_slice %arg7[%dma_start3A_375] : memref<6x!tpu.dma_semaphore, #tpu.memory_space<semaphore_mem>> -> memref<1x!tpu.dma_semaphore, #tpu.memory_space<semaphore_mem>>
    %dma_start3A_387 = tpu.memref_squeeze %dma_start3A_386 : memref<1x!tpu.dma_semaphore, #tpu.memory_space<semaphore_mem>> -> memref<!tpu.dma_semaphore, #tpu.memory_space<semaphore_mem>>
    tpu.enqueue_indirect_dma source(%dma_start3A_385 : memref<262144x128xf32, #tpu.memory_space<hbm>>) target(%dma_start3A_379 : memref<128x128xf32, #tpu.memory_space<vmem>>) offsets(%dma_start3A_382 : memref<128xi32, #tpu.memory_space<vmem>>) semaphore(%dma_start3A_387 : memref<!tpu.dma_semaphore, #tpu.memory_space<semaphore_mem>>)
    %dma_wait3A_388 = arith.constant 5 : i32
    %dma_wait3A_389 = arith.constant 5 : i32
    %dma_wait3A_390 = arith.constant 5 : i32
    %dma_wait3A_391 = arith.constant 0 : i32
    %dma_wait3A_392 = arith.constant 0 : i32
    %dma_wait3A_393 = tpu.memref_slice %arg6[%dma_wait3A_389, %dma_wait3A_391, %dma_wait3A_392] : memref<6x128x128xf32, #tpu.memory_space<vmem>> -> memref<1x128x128xf32, #tpu.memory_space<vmem>>
    %dma_wait3A_394 = tpu.memref_squeeze %dma_wait3A_393 : memref<1x128x128xf32, #tpu.memory_space<vmem>> -> memref<128x128xf32, #tpu.memory_space<vmem>>
    %dma_wait3A_395 = arith.constant 0 : i32
    %dma_wait3A_396 = tpu.memref_slice %arg5[%dma_wait3A_388, %dma_wait3A_395] : memref<16x128xi32, #tpu.memory_space<vmem>> -> memref<1x128xi32, #tpu.memory_space<vmem>>
    %dma_wait3A_397 = tpu.memref_squeeze %dma_wait3A_396 : memref<1x128xi32, #tpu.memory_space<vmem>> -> memref<128xi32, #tpu.memory_space<vmem>>
    %dma_wait3A_398 = arith.constant 0 : i32
    %dma_wait3A_399 = arith.constant 0 : i32
    %dma_wait3A_400 = tpu.memref_slice %arg2[%dma_wait3A_398, %dma_wait3A_399] : memref<262144x128xf32, #tpu.memory_space<hbm>> -> memref<262144x128xf32, #tpu.memory_space<hbm>>
    %dma_wait3A_401 = tpu.memref_slice %arg7[%dma_wait3A_390] : memref<6x!tpu.dma_semaphore, #tpu.memory_space<semaphore_mem>> -> memref<1x!tpu.dma_semaphore, #tpu.memory_space<semaphore_mem>>
    %dma_wait3A_402 = tpu.memref_squeeze %dma_wait3A_401 : memref<1x!tpu.dma_semaphore, #tpu.memory_space<semaphore_mem>> -> memref<!tpu.dma_semaphore, #tpu.memory_space<semaphore_mem>>
    tpu.wait_indirect_dma semaphore(%dma_wait3A_402 : memref<!tpu.dma_semaphore, #tpu.memory_space<semaphore_mem>>) src(%dma_wait3A_400 : memref<262144x128xf32, #tpu.memory_space<hbm>>) dst(%dma_wait3A_394 : memref<128x128xf32, #tpu.memory_space<vmem>>)
    %add3A_403 = arith.constant 640 : i32
    %add3A_404 = arith.addi %mul3A_2, %add3A_403 : i32
    %dma_start3A_405 = arith.constant 5 : i32
    %dma_start3A_406 = arith.constant 5 : i32
    %dma_start3A_407 = arith.constant 0 : i32
    %dma_start3A_408 = arith.constant 0 : i32
    %dma_start3A_409 = tpu.memref_slice %arg6[%dma_start3A_405, %dma_start3A_407, %dma_start3A_408] : memref<6x128x128xf32, #tpu.memory_space<vmem>> -> memref<1x128x128xf32, #tpu.memory_space<vmem>>
    %dma_start3A_410 = tpu.memref_squeeze %dma_start3A_409 : memref<1x128x128xf32, #tpu.memory_space<vmem>> -> memref<128x128xf32, #tpu.memory_space<vmem>>
    %dma_start3A_411 = arith.constant 0 : i32
    %dma_start3A_412 = tpu.memref_slice %arg4[%add3A_404, %dma_start3A_411] : memref<65536x128xf32, #tpu.memory_space<hbm>> -> memref<128x128xf32, #tpu.memory_space<hbm>>
    %dma_start3A_413 = tpu.memref_slice %arg8[%dma_start3A_406] : memref<6x!tpu.dma_semaphore, #tpu.memory_space<semaphore_mem>> -> memref<1x!tpu.dma_semaphore, #tpu.memory_space<semaphore_mem>>
    %dma_start3A_414 = tpu.memref_squeeze %dma_start3A_413 : memref<1x!tpu.dma_semaphore, #tpu.memory_space<semaphore_mem>> -> memref<!tpu.dma_semaphore, #tpu.memory_space<semaphore_mem>>
    %dma_start3A_415 = arith.constant 0 : i32
    %dma_start3A_416 = tpu.memref_slice %arg4[%add3A_404, %dma_start3A_415] : memref<65536x128xf32, #tpu.memory_space<hbm>> -> memref<128x128xf32, #tpu.memory_space<hbm>>
    %dma_start3A_417 = arith.constant 0 : i32
    %dma_start3A_418 = arith.constant 0 : i32
    %dma_start3A_419 = tpu.memref_slice %arg6[%dma_start3A_405, %dma_start3A_417, %dma_start3A_418] : memref<6x128x128xf32, #tpu.memory_space<vmem>> -> memref<1x128x128xf32, #tpu.memory_space<vmem>>
    %dma_start3A_420 = tpu.memref_squeeze %dma_start3A_419 : memref<1x128x128xf32, #tpu.memory_space<vmem>> -> memref<128x128xf32, #tpu.memory_space<vmem>>
    tpu.enqueue_dma source(%dma_start3A_420 : memref<128x128xf32, #tpu.memory_space<vmem>>) target(%dma_start3A_416 : memref<128x128xf32, #tpu.memory_space<hbm>>) target_semaphore(%dma_start3A_414 : memref<!tpu.dma_semaphore, #tpu.memory_space<semaphore_mem>>)
    %add3A_421 = arith.constant 512 : i32
    %add3A_422 = arith.addi %mul3A_2, %add3A_421 : i32
    %dma_wait3A_423 = arith.constant 4 : i32
    %dma_wait3A_424 = arith.constant 4 : i32
    %dma_wait3A_425 = arith.constant 0 : i32
    %dma_wait3A_426 = arith.constant 0 : i32
    %dma_wait3A_427 = tpu.memref_slice %arg6[%dma_wait3A_423, %dma_wait3A_425, %dma_wait3A_426] : memref<6x128x128xf32, #tpu.memory_space<vmem>> -> memref<1x128x128xf32, #tpu.memory_space<vmem>>
    %dma_wait3A_428 = tpu.memref_squeeze %dma_wait3A_427 : memref<1x128x128xf32, #tpu.memory_space<vmem>> -> memref<128x128xf32, #tpu.memory_space<vmem>>
    %dma_wait3A_429 = arith.constant 0 : i32
    %dma_wait3A_430 = tpu.memref_slice %arg4[%add3A_422, %dma_wait3A_429] : memref<65536x128xf32, #tpu.memory_space<hbm>> -> memref<128x128xf32, #tpu.memory_space<hbm>>
    %dma_wait3A_431 = tpu.memref_slice %arg8[%dma_wait3A_424] : memref<6x!tpu.dma_semaphore, #tpu.memory_space<semaphore_mem>> -> memref<1x!tpu.dma_semaphore, #tpu.memory_space<semaphore_mem>>
    %dma_wait3A_432 = tpu.memref_squeeze %dma_wait3A_431 : memref<1x!tpu.dma_semaphore, #tpu.memory_space<semaphore_mem>> -> memref<!tpu.dma_semaphore, #tpu.memory_space<semaphore_mem>>
    %dma_wait3A_433 = arith.constant 0 : i32
    %dma_wait3A_434 = tpu.memref_slice %arg4[%add3A_422, %dma_wait3A_433] : memref<65536x128xf32, #tpu.memory_space<hbm>> -> memref<128x128xf32, #tpu.memory_space<hbm>>
    %dma_wait3A_435 = arith.constant 0 : i32
    %dma_wait3A_436 = arith.constant 0 : i32
    %dma_wait3A_437 = tpu.memref_slice %arg6[%dma_wait3A_423, %dma_wait3A_435, %dma_wait3A_436] : memref<6x128x128xf32, #tpu.memory_space<vmem>> -> memref<1x128x128xf32, #tpu.memory_space<vmem>>
    %dma_wait3A_438 = tpu.memref_squeeze %dma_wait3A_437 : memref<1x128x128xf32, #tpu.memory_space<vmem>> -> memref<128x128xf32, #tpu.memory_space<vmem>>
    tpu.wait_dma2 semaphore(%dma_wait3A_432 : memref<!tpu.dma_semaphore, #tpu.memory_space<semaphore_mem>>) src(%dma_wait3A_438 : memref<128x128xf32, #tpu.memory_space<vmem>>) dst(%dma_wait3A_434 : memref<128x128xf32, #tpu.memory_space<hbm>>)
    %dma_start3A_439 = arith.constant 10 : i32
    %dma_start3A_440 = arith.constant 4 : i32
    %dma_start3A_441 = arith.constant 4 : i32
    %dma_start3A_442 = arith.constant 0 : i32
    %dma_start3A_443 = arith.constant 0 : i32
    %dma_start3A_444 = tpu.memref_slice %arg6[%dma_start3A_440, %dma_start3A_442, %dma_start3A_443] : memref<6x128x128xf32, #tpu.memory_space<vmem>> -> memref<1x128x128xf32, #tpu.memory_space<vmem>>
    %dma_start3A_445 = tpu.memref_squeeze %dma_start3A_444 : memref<1x128x128xf32, #tpu.memory_space<vmem>> -> memref<128x128xf32, #tpu.memory_space<vmem>>
    %dma_start3A_446 = arith.constant 0 : i32
    %dma_start3A_447 = tpu.memref_slice %arg5[%dma_start3A_439, %dma_start3A_446] : memref<16x128xi32, #tpu.memory_space<vmem>> -> memref<1x128xi32, #tpu.memory_space<vmem>>
    %dma_start3A_448 = tpu.memref_squeeze %dma_start3A_447 : memref<1x128xi32, #tpu.memory_space<vmem>> -> memref<128xi32, #tpu.memory_space<vmem>>
    %dma_start3A_449 = arith.constant 0 : i32
    %dma_start3A_450 = arith.constant 0 : i32
    %dma_start3A_451 = tpu.memref_slice %arg2[%dma_start3A_449, %dma_start3A_450] : memref<262144x128xf32, #tpu.memory_space<hbm>> -> memref<262144x128xf32, #tpu.memory_space<hbm>>
    %dma_start3A_452 = tpu.memref_slice %arg7[%dma_start3A_441] : memref<6x!tpu.dma_semaphore, #tpu.memory_space<semaphore_mem>> -> memref<1x!tpu.dma_semaphore, #tpu.memory_space<semaphore_mem>>
    %dma_start3A_453 = tpu.memref_squeeze %dma_start3A_452 : memref<1x!tpu.dma_semaphore, #tpu.memory_space<semaphore_mem>> -> memref<!tpu.dma_semaphore, #tpu.memory_space<semaphore_mem>>
    tpu.enqueue_indirect_dma source(%dma_start3A_451 : memref<262144x128xf32, #tpu.memory_space<hbm>>) target(%dma_start3A_445 : memref<128x128xf32, #tpu.memory_space<vmem>>) offsets(%dma_start3A_448 : memref<128xi32, #tpu.memory_space<vmem>>) semaphore(%dma_start3A_453 : memref<!tpu.dma_semaphore, #tpu.memory_space<semaphore_mem>>)
    %dma_wait3A_454 = arith.constant 6 : i32
    %dma_wait3A_455 = arith.constant 0 : i32
    %dma_wait3A_456 = arith.constant 0 : i32
    %dma_wait3A_457 = arith.constant 0 : i32
    %dma_wait3A_458 = arith.constant 0 : i32
    %dma_wait3A_459 = tpu.memref_slice %arg6[%dma_wait3A_455, %dma_wait3A_457, %dma_wait3A_458] : memref<6x128x128xf32, #tpu.memory_space<vmem>> -> memref<1x128x128xf32, #tpu.memory_space<vmem>>
    %dma_wait3A_460 = tpu.memref_squeeze %dma_wait3A_459 : memref<1x128x128xf32, #tpu.memory_space<vmem>> -> memref<128x128xf32, #tpu.memory_space<vmem>>
    %dma_wait3A_461 = arith.constant 0 : i32
    %dma_wait3A_462 = tpu.memref_slice %arg5[%dma_wait3A_454, %dma_wait3A_461] : memref<16x128xi32, #tpu.memory_space<vmem>> -> memref<1x128xi32, #tpu.memory_space<vmem>>
    %dma_wait3A_463 = tpu.memref_squeeze %dma_wait3A_462 : memref<1x128xi32, #tpu.memory_space<vmem>> -> memref<128xi32, #tpu.memory_space<vmem>>
    %dma_wait3A_464 = arith.constant 0 : i32
    %dma_wait3A_465 = arith.constant 0 : i32
    %dma_wait3A_466 = tpu.memref_slice %arg2[%dma_wait3A_464, %dma_wait3A_465] : memref<262144x128xf32, #tpu.memory_space<hbm>> -> memref<262144x128xf32, #tpu.memory_space<hbm>>
    %dma_wait3A_467 = tpu.memref_slice %arg7[%dma_wait3A_456] : memref<6x!tpu.dma_semaphore, #tpu.memory_space<semaphore_mem>> -> memref<1x!tpu.dma_semaphore, #tpu.memory_space<semaphore_mem>>
    %dma_wait3A_468 = tpu.memref_squeeze %dma_wait3A_467 : memref<1x!tpu.dma_semaphore, #tpu.memory_space<semaphore_mem>> -> memref<!tpu.dma_semaphore, #tpu.memory_space<semaphore_mem>>
    tpu.wait_indirect_dma semaphore(%dma_wait3A_468 : memref<!tpu.dma_semaphore, #tpu.memory_space<semaphore_mem>>) src(%dma_wait3A_466 : memref<262144x128xf32, #tpu.memory_space<hbm>>) dst(%dma_wait3A_460 : memref<128x128xf32, #tpu.memory_space<vmem>>)
    %add3A_469 = arith.constant 768 : i32
    %add3A_470 = arith.addi %mul3A_2, %add3A_469 : i32
    %dma_start3A_471 = arith.constant 0 : i32
    %dma_start3A_472 = arith.constant 0 : i32
    %dma_start3A_473 = arith.constant 0 : i32
    %dma_start3A_474 = arith.constant 0 : i32
    %dma_start3A_475 = tpu.memref_slice %arg6[%dma_start3A_471, %dma_start3A_473, %dma_start3A_474] : memref<6x128x128xf32, #tpu.memory_space<vmem>> -> memref<1x128x128xf32, #tpu.memory_space<vmem>>
    %dma_start3A_476 = tpu.memref_squeeze %dma_start3A_475 : memref<1x128x128xf32, #tpu.memory_space<vmem>> -> memref<128x128xf32, #tpu.memory_space<vmem>>
    %dma_start3A_477 = arith.constant 0 : i32
    %dma_start3A_478 = tpu.memref_slice %arg4[%add3A_470, %dma_start3A_477] : memref<65536x128xf32, #tpu.memory_space<hbm>> -> memref<128x128xf32, #tpu.memory_space<hbm>>
    %dma_start3A_479 = tpu.memref_slice %arg8[%dma_start3A_472] : memref<6x!tpu.dma_semaphore, #tpu.memory_space<semaphore_mem>> -> memref<1x!tpu.dma_semaphore, #tpu.memory_space<semaphore_mem>>
    %dma_start3A_480 = tpu.memref_squeeze %dma_start3A_479 : memref<1x!tpu.dma_semaphore, #tpu.memory_space<semaphore_mem>> -> memref<!tpu.dma_semaphore, #tpu.memory_space<semaphore_mem>>
    %dma_start3A_481 = arith.constant 0 : i32
    %dma_start3A_482 = tpu.memref_slice %arg4[%add3A_470, %dma_start3A_481] : memref<65536x128xf32, #tpu.memory_space<hbm>> -> memref<128x128xf32, #tpu.memory_space<hbm>>
    %dma_start3A_483 = arith.constant 0 : i32
    %dma_start3A_484 = arith.constant 0 : i32
    %dma_start3A_485 = tpu.memref_slice %arg6[%dma_start3A_471, %dma_start3A_483, %dma_start3A_484] : memref<6x128x128xf32, #tpu.memory_space<vmem>> -> memref<1x128x128xf32, #tpu.memory_space<vmem>>
    %dma_start3A_486 = tpu.memref_squeeze %dma_start3A_485 : memref<1x128x128xf32, #tpu.memory_space<vmem>> -> memref<128x128xf32, #tpu.memory_space<vmem>>
    tpu.enqueue_dma source(%dma_start3A_486 : memref<128x128xf32, #tpu.memory_space<vmem>>) target(%dma_start3A_482 : memref<128x128xf32, #tpu.memory_space<hbm>>) target_semaphore(%dma_start3A_480 : memref<!tpu.dma_semaphore, #tpu.memory_space<semaphore_mem>>)
    %add3A_487 = arith.constant 640 : i32
    %add3A_488 = arith.addi %mul3A_2, %add3A_487 : i32
    %dma_wait3A_489 = arith.constant 5 : i32
    %dma_wait3A_490 = arith.constant 5 : i32
    %dma_wait3A_491 = arith.constant 0 : i32
    %dma_wait3A_492 = arith.constant 0 : i32
    %dma_wait3A_493 = tpu.memref_slice %arg6[%dma_wait3A_489, %dma_wait3A_491, %dma_wait3A_492] : memref<6x128x128xf32, #tpu.memory_space<vmem>> -> memref<1x128x128xf32, #tpu.memory_space<vmem>>
    %dma_wait3A_494 = tpu.memref_squeeze %dma_wait3A_493 : memref<1x128x128xf32, #tpu.memory_space<vmem>> -> memref<128x128xf32, #tpu.memory_space<vmem>>
    %dma_wait3A_495 = arith.constant 0 : i32
    %dma_wait3A_496 = tpu.memref_slice %arg4[%add3A_488, %dma_wait3A_495] : memref<65536x128xf32, #tpu.memory_space<hbm>> -> memref<128x128xf32, #tpu.memory_space<hbm>>
    %dma_wait3A_497 = tpu.memref_slice %arg8[%dma_wait3A_490] : memref<6x!tpu.dma_semaphore, #tpu.memory_space<semaphore_mem>> -> memref<1x!tpu.dma_semaphore, #tpu.memory_space<semaphore_mem>>
    %dma_wait3A_498 = tpu.memref_squeeze %dma_wait3A_497 : memref<1x!tpu.dma_semaphore, #tpu.memory_space<semaphore_mem>> -> memref<!tpu.dma_semaphore, #tpu.memory_space<semaphore_mem>>
    %dma_wait3A_499 = arith.constant 0 : i32
    %dma_wait3A_500 = tpu.memref_slice %arg4[%add3A_488, %dma_wait3A_499] : memref<65536x128xf32, #tpu.memory_space<hbm>> -> memref<128x128xf32, #tpu.memory_space<hbm>>
    %dma_wait3A_501 = arith.constant 0 : i32
    %dma_wait3A_502 = arith.constant 0 : i32
    %dma_wait3A_503 = tpu.memref_slice %arg6[%dma_wait3A_489, %dma_wait3A_501, %dma_wait3A_502] : memref<6x128x128xf32, #tpu.memory_space<vmem>> -> memref<1x128x128xf32, #tpu.memory_space<vmem>>
    %dma_wait3A_504 = tpu.memref_squeeze %dma_wait3A_503 : memref<1x128x128xf32, #tpu.memory_space<vmem>> -> memref<128x128xf32, #tpu.memory_space<vmem>>
    tpu.wait_dma2 semaphore(%dma_wait3A_498 : memref<!tpu.dma_semaphore, #tpu.memory_space<semaphore_mem>>) src(%dma_wait3A_504 : memref<128x128xf32, #tpu.memory_space<vmem>>) dst(%dma_wait3A_500 : memref<128x128xf32, #tpu.memory_space<hbm>>)
    %dma_start3A_505 = arith.constant 11 : i32
    %dma_start3A_506 = arith.constant 5 : i32
    %dma_start3A_507 = arith.constant 5 : i32
    %dma_start3A_508 = arith.constant 0 : i32
    %dma_start3A_509 = arith.constant 0 : i32
    %dma_start3A_510 = tpu.memref_slice %arg6[%dma_start3A_506, %dma_start3A_508, %dma_start3A_509] : memref<6x128x128xf32, #tpu.memory_space<vmem>> -> memref<1x128x128xf32, #tpu.memory_space<vmem>>
    %dma_start3A_511 = tpu.memref_squeeze %dma_start3A_510 : memref<1x128x128xf32, #tpu.memory_space<vmem>> -> memref<128x128xf32, #tpu.memory_space<vmem>>
    %dma_start3A_512 = arith.constant 0 : i32
    %dma_start3A_513 = tpu.memref_slice %arg5[%dma_start3A_505, %dma_start3A_512] : memref<16x128xi32, #tpu.memory_space<vmem>> -> memref<1x128xi32, #tpu.memory_space<vmem>>
    %dma_start3A_514 = tpu.memref_squeeze %dma_start3A_513 : memref<1x128xi32, #tpu.memory_space<vmem>> -> memref<128xi32, #tpu.memory_space<vmem>>
    %dma_start3A_515 = arith.constant 0 : i32
    %dma_start3A_516 = arith.constant 0 : i32
    %dma_start3A_517 = tpu.memref_slice %arg2[%dma_start3A_515, %dma_start3A_516] : memref<262144x128xf32, #tpu.memory_space<hbm>> -> memref<262144x128xf32, #tpu.memory_space<hbm>>
    %dma_start3A_518 = tpu.memref_slice %arg7[%dma_start3A_507] : memref<6x!tpu.dma_semaphore, #tpu.memory_space<semaphore_mem>> -> memref<1x!tpu.dma_semaphore, #tpu.memory_space<semaphore_mem>>
    %dma_start3A_519 = tpu.memref_squeeze %dma_start3A_518 : memref<1x!tpu.dma_semaphore, #tpu.memory_space<semaphore_mem>> -> memref<!tpu.dma_semaphore, #tpu.memory_space<semaphore_mem>>
    tpu.enqueue_indirect_dma source(%dma_start3A_517 : memref<262144x128xf32, #tpu.memory_space<hbm>>) target(%dma_start3A_511 : memref<128x128xf32, #tpu.memory_space<vmem>>) offsets(%dma_start3A_514 : memref<128xi32, #tpu.memory_space<vmem>>) semaphore(%dma_start3A_519 : memref<!tpu.dma_semaphore, #tpu.memory_space<semaphore_mem>>)
    %dma_wait3A_520 = arith.constant 7 : i32
    %dma_wait3A_521 = arith.constant 1 : i32
    %dma_wait3A_522 = arith.constant 1 : i32
    %dma_wait3A_523 = arith.constant 0 : i32
    %dma_wait3A_524 = arith.constant 0 : i32
    %dma_wait3A_525 = tpu.memref_slice %arg6[%dma_wait3A_521, %dma_wait3A_523, %dma_wait3A_524] : memref<6x128x128xf32, #tpu.memory_space<vmem>> -> memref<1x128x128xf32, #tpu.memory_space<vmem>>
    %dma_wait3A_526 = tpu.memref_squeeze %dma_wait3A_525 : memref<1x128x128xf32, #tpu.memory_space<vmem>> -> memref<128x128xf32, #tpu.memory_space<vmem>>
    %dma_wait3A_527 = arith.constant 0 : i32
    %dma_wait3A_528 = tpu.memref_slice %arg5[%dma_wait3A_520, %dma_wait3A_527] : memref<16x128xi32, #tpu.memory_space<vmem>> -> memref<1x128xi32, #tpu.memory_space<vmem>>
    %dma_wait3A_529 = tpu.memref_squeeze %dma_wait3A_528 : memref<1x128xi32, #tpu.memory_space<vmem>> -> memref<128xi32, #tpu.memory_space<vmem>>
    %dma_wait3A_530 = arith.constant 0 : i32
    %dma_wait3A_531 = arith.constant 0 : i32
    %dma_wait3A_532 = tpu.memref_slice %arg2[%dma_wait3A_530, %dma_wait3A_531] : memref<262144x128xf32, #tpu.memory_space<hbm>> -> memref<262144x128xf32, #tpu.memory_space<hbm>>
    %dma_wait3A_533 = tpu.memref_slice %arg7[%dma_wait3A_522] : memref<6x!tpu.dma_semaphore, #tpu.memory_space<semaphore_mem>> -> memref<1x!tpu.dma_semaphore, #tpu.memory_space<semaphore_mem>>
    %dma_wait3A_534 = tpu.memref_squeeze %dma_wait3A_533 : memref<1x!tpu.dma_semaphore, #tpu.memory_space<semaphore_mem>> -> memref<!tpu.dma_semaphore, #tpu.memory_space<semaphore_mem>>
    tpu.wait_indirect_dma semaphore(%dma_wait3A_534 : memref<!tpu.dma_semaphore, #tpu.memory_space<semaphore_mem>>) src(%dma_wait3A_532 : memref<262144x128xf32, #tpu.memory_space<hbm>>) dst(%dma_wait3A_526 : memref<128x128xf32, #tpu.memory_space<vmem>>)
    %add3A_535 = arith.constant 896 : i32
    %add3A_536 = arith.addi %mul3A_2, %add3A_535 : i32
    %dma_start3A_537 = arith.constant 1 : i32
    %dma_start3A_538 = arith.constant 1 : i32
    %dma_start3A_539 = arith.constant 0 : i32
    %dma_start3A_540 = arith.constant 0 : i32
    %dma_start3A_541 = tpu.memref_slice %arg6[%dma_start3A_537, %dma_start3A_539, %dma_start3A_540] : memref<6x128x128xf32, #tpu.memory_space<vmem>> -> memref<1x128x128xf32, #tpu.memory_space<vmem>>
    %dma_start3A_542 = tpu.memref_squeeze %dma_start3A_541 : memref<1x128x128xf32, #tpu.memory_space<vmem>> -> memref<128x128xf32, #tpu.memory_space<vmem>>
    %dma_start3A_543 = arith.constant 0 : i32
    %dma_start3A_544 = tpu.memref_slice %arg4[%add3A_536, %dma_start3A_543] : memref<65536x128xf32, #tpu.memory_space<hbm>> -> memref<128x128xf32, #tpu.memory_space<hbm>>
    %dma_start3A_545 = tpu.memref_slice %arg8[%dma_start3A_538] : memref<6x!tpu.dma_semaphore, #tpu.memory_space<semaphore_mem>> -> memref<1x!tpu.dma_semaphore, #tpu.memory_space<semaphore_mem>>
    %dma_start3A_546 = tpu.memref_squeeze %dma_start3A_545 : memref<1x!tpu.dma_semaphore, #tpu.memory_space<semaphore_mem>> -> memref<!tpu.dma_semaphore, #tpu.memory_space<semaphore_mem>>
    %dma_start3A_547 = arith.constant 0 : i32
    %dma_start3A_548 = tpu.memref_slice %arg4[%add3A_536, %dma_start3A_547] : memref<65536x128xf32, #tpu.memory_space<hbm>> -> memref<128x128xf32, #tpu.memory_space<hbm>>
    %dma_start3A_549 = arith.constant 0 : i32
    %dma_start3A_550 = arith.constant 0 : i32
    %dma_start3A_551 = tpu.memref_slice %arg6[%dma_start3A_537, %dma_start3A_549, %dma_start3A_550] : memref<6x128x128xf32, #tpu.memory_space<vmem>> -> memref<1x128x128xf32, #tpu.memory_space<vmem>>
    %dma_start3A_552 = tpu.memref_squeeze %dma_start3A_551 : memref<1x128x128xf32, #tpu.memory_space<vmem>> -> memref<128x128xf32, #tpu.memory_space<vmem>>
    tpu.enqueue_dma source(%dma_start3A_552 : memref<128x128xf32, #tpu.memory_space<vmem>>) target(%dma_start3A_548 : memref<128x128xf32, #tpu.memory_space<hbm>>) target_semaphore(%dma_start3A_546 : memref<!tpu.dma_semaphore, #tpu.memory_space<semaphore_mem>>)
    %add3A_553 = arith.constant 768 : i32
    %add3A_554 = arith.addi %mul3A_2, %add3A_553 : i32
    %dma_wait3A_555 = arith.constant 0 : i32
    %dma_wait3A_556 = arith.constant 0 : i32
    %dma_wait3A_557 = arith.constant 0 : i32
    %dma_wait3A_558 = arith.constant 0 : i32
    %dma_wait3A_559 = tpu.memref_slice %arg6[%dma_wait3A_555, %dma_wait3A_557, %dma_wait3A_558] : memref<6x128x128xf32, #tpu.memory_space<vmem>> -> memref<1x128x128xf32, #tpu.memory_space<vmem>>
    %dma_wait3A_560 = tpu.memref_squeeze %dma_wait3A_559 : memref<1x128x128xf32, #tpu.memory_space<vmem>> -> memref<128x128xf32, #tpu.memory_space<vmem>>
    %dma_wait3A_561 = arith.constant 0 : i32
    %dma_wait3A_562 = tpu.memref_slice %arg4[%add3A_554, %dma_wait3A_561] : memref<65536x128xf32, #tpu.memory_space<hbm>> -> memref<128x128xf32, #tpu.memory_space<hbm>>
    %dma_wait3A_563 = tpu.memref_slice %arg8[%dma_wait3A_556] : memref<6x!tpu.dma_semaphore, #tpu.memory_space<semaphore_mem>> -> memref<1x!tpu.dma_semaphore, #tpu.memory_space<semaphore_mem>>
    %dma_wait3A_564 = tpu.memref_squeeze %dma_wait3A_563 : memref<1x!tpu.dma_semaphore, #tpu.memory_space<semaphore_mem>> -> memref<!tpu.dma_semaphore, #tpu.memory_space<semaphore_mem>>
    %dma_wait3A_565 = arith.constant 0 : i32
    %dma_wait3A_566 = tpu.memref_slice %arg4[%add3A_554, %dma_wait3A_565] : memref<65536x128xf32, #tpu.memory_space<hbm>> -> memref<128x128xf32, #tpu.memory_space<hbm>>
    %dma_wait3A_567 = arith.constant 0 : i32
    %dma_wait3A_568 = arith.constant 0 : i32
    %dma_wait3A_569 = tpu.memref_slice %arg6[%dma_wait3A_555, %dma_wait3A_567, %dma_wait3A_568] : memref<6x128x128xf32, #tpu.memory_space<vmem>> -> memref<1x128x128xf32, #tpu.memory_space<vmem>>
    %dma_wait3A_570 = tpu.memref_squeeze %dma_wait3A_569 : memref<1x128x128xf32, #tpu.memory_space<vmem>> -> memref<128x128xf32, #tpu.memory_space<vmem>>
    tpu.wait_dma2 semaphore(%dma_wait3A_564 : memref<!tpu.dma_semaphore, #tpu.memory_space<semaphore_mem>>) src(%dma_wait3A_570 : memref<128x128xf32, #tpu.memory_space<vmem>>) dst(%dma_wait3A_566 : memref<128x128xf32, #tpu.memory_space<hbm>>)
    %dma_start3A_571 = arith.constant 12 : i32
    %dma_start3A_572 = arith.constant 0 : i32
    %dma_start3A_573 = arith.constant 0 : i32
    %dma_start3A_574 = arith.constant 0 : i32
    %dma_start3A_575 = arith.constant 0 : i32
    %dma_start3A_576 = tpu.memref_slice %arg6[%dma_start3A_572, %dma_start3A_574, %dma_start3A_575] : memref<6x128x128xf32, #tpu.memory_space<vmem>> -> memref<1x128x128xf32, #tpu.memory_space<vmem>>
    %dma_start3A_577 = tpu.memref_squeeze %dma_start3A_576 : memref<1x128x128xf32, #tpu.memory_space<vmem>> -> memref<128x128xf32, #tpu.memory_space<vmem>>
    %dma_start3A_578 = arith.constant 0 : i32
    %dma_start3A_579 = tpu.memref_slice %arg5[%dma_start3A_571, %dma_start3A_578] : memref<16x128xi32, #tpu.memory_space<vmem>> -> memref<1x128xi32, #tpu.memory_space<vmem>>
    %dma_start3A_580 = tpu.memref_squeeze %dma_start3A_579 : memref<1x128xi32, #tpu.memory_space<vmem>> -> memref<128xi32, #tpu.memory_space<vmem>>
    %dma_start3A_581 = arith.constant 0 : i32
    %dma_start3A_582 = arith.constant 0 : i32
    %dma_start3A_583 = tpu.memref_slice %arg2[%dma_start3A_581, %dma_start3A_582] : memref<262144x128xf32, #tpu.memory_space<hbm>> -> memref<262144x128xf32, #tpu.memory_space<hbm>>
    %dma_start3A_584 = tpu.memref_slice %arg7[%dma_start3A_573] : memref<6x!tpu.dma_semaphore, #tpu.memory_space<semaphore_mem>> -> memref<1x!tpu.dma_semaphore, #tpu.memory_space<semaphore_mem>>
    %dma_start3A_585 = tpu.memref_squeeze %dma_start3A_584 : memref<1x!tpu.dma_semaphore, #tpu.memory_space<semaphore_mem>> -> memref<!tpu.dma_semaphore, #tpu.memory_space<semaphore_mem>>
    tpu.enqueue_indirect_dma source(%dma_start3A_583 : memref<262144x128xf32, #tpu.memory_space<hbm>>) target(%dma_start3A_577 : memref<128x128xf32, #tpu.memory_space<vmem>>) offsets(%dma_start3A_580 : memref<128xi32, #tpu.memory_space<vmem>>) semaphore(%dma_start3A_585 : memref<!tpu.dma_semaphore, #tpu.memory_space<semaphore_mem>>)
    %dma_wait3A_586 = arith.constant 8 : i32
    %dma_wait3A_587 = arith.constant 2 : i32
    %dma_wait3A_588 = arith.constant 2 : i32
    %dma_wait3A_589 = arith.constant 0 : i32
    %dma_wait3A_590 = arith.constant 0 : i32
    %dma_wait3A_591 = tpu.memref_slice %arg6[%dma_wait3A_587, %dma_wait3A_589, %dma_wait3A_590] : memref<6x128x128xf32, #tpu.memory_space<vmem>> -> memref<1x128x128xf32, #tpu.memory_space<vmem>>
    %dma_wait3A_592 = tpu.memref_squeeze %dma_wait3A_591 : memref<1x128x128xf32, #tpu.memory_space<vmem>> -> memref<128x128xf32, #tpu.memory_space<vmem>>
    %dma_wait3A_593 = arith.constant 0 : i32
    %dma_wait3A_594 = tpu.memref_slice %arg5[%dma_wait3A_586, %dma_wait3A_593] : memref<16x128xi32, #tpu.memory_space<vmem>> -> memref<1x128xi32, #tpu.memory_space<vmem>>
    %dma_wait3A_595 = tpu.memref_squeeze %dma_wait3A_594 : memref<1x128xi32, #tpu.memory_space<vmem>> -> memref<128xi32, #tpu.memory_space<vmem>>
    %dma_wait3A_596 = arith.constant 0 : i32
    %dma_wait3A_597 = arith.constant 0 : i32
    %dma_wait3A_598 = tpu.memref_slice %arg2[%dma_wait3A_596, %dma_wait3A_597] : memref<262144x128xf32, #tpu.memory_space<hbm>> -> memref<262144x128xf32, #tpu.memory_space<hbm>>
    %dma_wait3A_599 = tpu.memref_slice %arg7[%dma_wait3A_588] : memref<6x!tpu.dma_semaphore, #tpu.memory_space<semaphore_mem>> -> memref<1x!tpu.dma_semaphore, #tpu.memory_space<semaphore_mem>>
    %dma_wait3A_600 = tpu.memref_squeeze %dma_wait3A_599 : memref<1x!tpu.dma_semaphore, #tpu.memory_space<semaphore_mem>> -> memref<!tpu.dma_semaphore, #tpu.memory_space<semaphore_mem>>
    tpu.wait_indirect_dma semaphore(%dma_wait3A_600 : memref<!tpu.dma_semaphore, #tpu.memory_space<semaphore_mem>>) src(%dma_wait3A_598 : memref<262144x128xf32, #tpu.memory_space<hbm>>) dst(%dma_wait3A_592 : memref<128x128xf32, #tpu.memory_space<vmem>>)
    %add3A_601 = arith.constant 1024 : i32
    %add3A_602 = arith.addi %mul3A_2, %add3A_601 : i32
    %dma_start3A_603 = arith.constant 2 : i32
    %dma_start3A_604 = arith.constant 2 : i32
    %dma_start3A_605 = arith.constant 0 : i32
    %dma_start3A_606 = arith.constant 0 : i32
    %dma_start3A_607 = tpu.memref_slice %arg6[%dma_start3A_603, %dma_start3A_605, %dma_start3A_606] : memref<6x128x128xf32, #tpu.memory_space<vmem>> -> memref<1x128x128xf32, #tpu.memory_space<vmem>>
    %dma_start3A_608 = tpu.memref_squeeze %dma_start3A_607 : memref<1x128x128xf32, #tpu.memory_space<vmem>> -> memref<128x128xf32, #tpu.memory_space<vmem>>
    %dma_start3A_609 = arith.constant 0 : i32
    %dma_start3A_610 = tpu.memref_slice %arg4[%add3A_602, %dma_start3A_609] : memref<65536x128xf32, #tpu.memory_space<hbm>> -> memref<128x128xf32, #tpu.memory_space<hbm>>
    %dma_start3A_611 = tpu.memref_slice %arg8[%dma_start3A_604] : memref<6x!tpu.dma_semaphore, #tpu.memory_space<semaphore_mem>> -> memref<1x!tpu.dma_semaphore, #tpu.memory_space<semaphore_mem>>
    %dma_start3A_612 = tpu.memref_squeeze %dma_start3A_611 : memref<1x!tpu.dma_semaphore, #tpu.memory_space<semaphore_mem>> -> memref<!tpu.dma_semaphore, #tpu.memory_space<semaphore_mem>>
    %dma_start3A_613 = arith.constant 0 : i32
    %dma_start3A_614 = tpu.memref_slice %arg4[%add3A_602, %dma_start3A_613] : memref<65536x128xf32, #tpu.memory_space<hbm>> -> memref<128x128xf32, #tpu.memory_space<hbm>>
    %dma_start3A_615 = arith.constant 0 : i32
    %dma_start3A_616 = arith.constant 0 : i32
    %dma_start3A_617 = tpu.memref_slice %arg6[%dma_start3A_603, %dma_start3A_615, %dma_start3A_616] : memref<6x128x128xf32, #tpu.memory_space<vmem>> -> memref<1x128x128xf32, #tpu.memory_space<vmem>>
    %dma_start3A_618 = tpu.memref_squeeze %dma_start3A_617 : memref<1x128x128xf32, #tpu.memory_space<vmem>> -> memref<128x128xf32, #tpu.memory_space<vmem>>
    tpu.enqueue_dma source(%dma_start3A_618 : memref<128x128xf32, #tpu.memory_space<vmem>>) target(%dma_start3A_614 : memref<128x128xf32, #tpu.memory_space<hbm>>) target_semaphore(%dma_start3A_612 : memref<!tpu.dma_semaphore, #tpu.memory_space<semaphore_mem>>)
    %add3A_619 = arith.constant 896 : i32
    %add3A_620 = arith.addi %mul3A_2, %add3A_619 : i32
    %dma_wait3A_621 = arith.constant 1 : i32
    %dma_wait3A_622 = arith.constant 1 : i32
    %dma_wait3A_623 = arith.constant 0 : i32
    %dma_wait3A_624 = arith.constant 0 : i32
    %dma_wait3A_625 = tpu.memref_slice %arg6[%dma_wait3A_621, %dma_wait3A_623, %dma_wait3A_624] : memref<6x128x128xf32, #tpu.memory_space<vmem>> -> memref<1x128x128xf32, #tpu.memory_space<vmem>>
    %dma_wait3A_626 = tpu.memref_squeeze %dma_wait3A_625 : memref<1x128x128xf32, #tpu.memory_space<vmem>> -> memref<128x128xf32, #tpu.memory_space<vmem>>
    %dma_wait3A_627 = arith.constant 0 : i32
    %dma_wait3A_628 = tpu.memref_slice %arg4[%add3A_620, %dma_wait3A_627] : memref<65536x128xf32, #tpu.memory_space<hbm>> -> memref<128x128xf32, #tpu.memory_space<hbm>>
    %dma_wait3A_629 = tpu.memref_slice %arg8[%dma_wait3A_622] : memref<6x!tpu.dma_semaphore, #tpu.memory_space<semaphore_mem>> -> memref<1x!tpu.dma_semaphore, #tpu.memory_space<semaphore_mem>>
    %dma_wait3A_630 = tpu.memref_squeeze %dma_wait3A_629 : memref<1x!tpu.dma_semaphore, #tpu.memory_space<semaphore_mem>> -> memref<!tpu.dma_semaphore, #tpu.memory_space<semaphore_mem>>
    %dma_wait3A_631 = arith.constant 0 : i32
    %dma_wait3A_632 = tpu.memref_slice %arg4[%add3A_620, %dma_wait3A_631] : memref<65536x128xf32, #tpu.memory_space<hbm>> -> memref<128x128xf32, #tpu.memory_space<hbm>>
    %dma_wait3A_633 = arith.constant 0 : i32
    %dma_wait3A_634 = arith.constant 0 : i32
    %dma_wait3A_635 = tpu.memref_slice %arg6[%dma_wait3A_621, %dma_wait3A_633, %dma_wait3A_634] : memref<6x128x128xf32, #tpu.memory_space<vmem>> -> memref<1x128x128xf32, #tpu.memory_space<vmem>>
    %dma_wait3A_636 = tpu.memref_squeeze %dma_wait3A_635 : memref<1x128x128xf32, #tpu.memory_space<vmem>> -> memref<128x128xf32, #tpu.memory_space<vmem>>
    tpu.wait_dma2 semaphore(%dma_wait3A_630 : memref<!tpu.dma_semaphore, #tpu.memory_space<semaphore_mem>>) src(%dma_wait3A_636 : memref<128x128xf32, #tpu.memory_space<vmem>>) dst(%dma_wait3A_632 : memref<128x128xf32, #tpu.memory_space<hbm>>)
    %dma_start3A_637 = arith.constant 13 : i32
    %dma_start3A_638 = arith.constant 1 : i32
    %dma_start3A_639 = arith.constant 1 : i32
    %dma_start3A_640 = arith.constant 0 : i32
    %dma_start3A_641 = arith.constant 0 : i32
    %dma_start3A_642 = tpu.memref_slice %arg6[%dma_start3A_638, %dma_start3A_640, %dma_start3A_641] : memref<6x128x128xf32, #tpu.memory_space<vmem>> -> memref<1x128x128xf32, #tpu.memory_space<vmem>>
    %dma_start3A_643 = tpu.memref_squeeze %dma_start3A_642 : memref<1x128x128xf32, #tpu.memory_space<vmem>> -> memref<128x128xf32, #tpu.memory_space<vmem>>
    %dma_start3A_644 = arith.constant 0 : i32
    %dma_start3A_645 = tpu.memref_slice %arg5[%dma_start3A_637, %dma_start3A_644] : memref<16x128xi32, #tpu.memory_space<vmem>> -> memref<1x128xi32, #tpu.memory_space<vmem>>
    %dma_start3A_646 = tpu.memref_squeeze %dma_start3A_645 : memref<1x128xi32, #tpu.memory_space<vmem>> -> memref<128xi32, #tpu.memory_space<vmem>>
    %dma_start3A_647 = arith.constant 0 : i32
    %dma_start3A_648 = arith.constant 0 : i32
    %dma_start3A_649 = tpu.memref_slice %arg2[%dma_start3A_647, %dma_start3A_648] : memref<262144x128xf32, #tpu.memory_space<hbm>> -> memref<262144x128xf32, #tpu.memory_space<hbm>>
    %dma_start3A_650 = tpu.memref_slice %arg7[%dma_start3A_639] : memref<6x!tpu.dma_semaphore, #tpu.memory_space<semaphore_mem>> -> memref<1x!tpu.dma_semaphore, #tpu.memory_space<semaphore_mem>>
    %dma_start3A_651 = tpu.memref_squeeze %dma_start3A_650 : memref<1x!tpu.dma_semaphore, #tpu.memory_space<semaphore_mem>> -> memref<!tpu.dma_semaphore, #tpu.memory_space<semaphore_mem>>
    tpu.enqueue_indirect_dma source(%dma_start3A_649 : memref<262144x128xf32, #tpu.memory_space<hbm>>) target(%dma_start3A_643 : memref<128x128xf32, #tpu.memory_space<vmem>>) offsets(%dma_start3A_646 : memref<128xi32, #tpu.memory_space<vmem>>) semaphore(%dma_start3A_651 : memref<!tpu.dma_semaphore, #tpu.memory_space<semaphore_mem>>)
    %dma_wait3A_652 = arith.constant 9 : i32
    %dma_wait3A_653 = arith.constant 3 : i32
    %dma_wait3A_654 = arith.constant 3 : i32
    %dma_wait3A_655 = arith.constant 0 : i32
    %dma_wait3A_656 = arith.constant 0 : i32
    %dma_wait3A_657 = tpu.memref_slice %arg6[%dma_wait3A_653, %dma_wait3A_655, %dma_wait3A_656] : memref<6x128x128xf32, #tpu.memory_space<vmem>> -> memref<1x128x128xf32, #tpu.memory_space<vmem>>
    %dma_wait3A_658 = tpu.memref_squeeze %dma_wait3A_657 : memref<1x128x128xf32, #tpu.memory_space<vmem>> -> memref<128x128xf32, #tpu.memory_space<vmem>>
    %dma_wait3A_659 = arith.constant 0 : i32
    %dma_wait3A_660 = tpu.memref_slice %arg5[%dma_wait3A_652, %dma_wait3A_659] : memref<16x128xi32, #tpu.memory_space<vmem>> -> memref<1x128xi32, #tpu.memory_space<vmem>>
    %dma_wait3A_661 = tpu.memref_squeeze %dma_wait3A_660 : memref<1x128xi32, #tpu.memory_space<vmem>> -> memref<128xi32, #tpu.memory_space<vmem>>
    %dma_wait3A_662 = arith.constant 0 : i32
    %dma_wait3A_663 = arith.constant 0 : i32
    %dma_wait3A_664 = tpu.memref_slice %arg2[%dma_wait3A_662, %dma_wait3A_663] : memref<262144x128xf32, #tpu.memory_space<hbm>> -> memref<262144x128xf32, #tpu.memory_space<hbm>>
    %dma_wait3A_665 = tpu.memref_slice %arg7[%dma_wait3A_654] : memref<6x!tpu.dma_semaphore, #tpu.memory_space<semaphore_mem>> -> memref<1x!tpu.dma_semaphore, #tpu.memory_space<semaphore_mem>>
    %dma_wait3A_666 = tpu.memref_squeeze %dma_wait3A_665 : memref<1x!tpu.dma_semaphore, #tpu.memory_space<semaphore_mem>> -> memref<!tpu.dma_semaphore, #tpu.memory_space<semaphore_mem>>
    tpu.wait_indirect_dma semaphore(%dma_wait3A_666 : memref<!tpu.dma_semaphore, #tpu.memory_space<semaphore_mem>>) src(%dma_wait3A_664 : memref<262144x128xf32, #tpu.memory_space<hbm>>) dst(%dma_wait3A_658 : memref<128x128xf32, #tpu.memory_space<vmem>>)
    %add3A_667 = arith.constant 1152 : i32
    %add3A_668 = arith.addi %mul3A_2, %add3A_667 : i32
    %dma_start3A_669 = arith.constant 3 : i32
    %dma_start3A_670 = arith.constant 3 : i32
    %dma_start3A_671 = arith.constant 0 : i32
    %dma_start3A_672 = arith.constant 0 : i32
    %dma_start3A_673 = tpu.memref_slice %arg6[%dma_start3A_669, %dma_start3A_671, %dma_start3A_672] : memref<6x128x128xf32, #tpu.memory_space<vmem>> -> memref<1x128x128xf32, #tpu.memory_space<vmem>>
    %dma_start3A_674 = tpu.memref_squeeze %dma_start3A_673 : memref<1x128x128xf32, #tpu.memory_space<vmem>> -> memref<128x128xf32, #tpu.memory_space<vmem>>
    %dma_start3A_675 = arith.constant 0 : i32
    %dma_start3A_676 = tpu.memref_slice %arg4[%add3A_668, %dma_start3A_675] : memref<65536x128xf32, #tpu.memory_space<hbm>> -> memref<128x128xf32, #tpu.memory_space<hbm>>
    %dma_start3A_677 = tpu.memref_slice %arg8[%dma_start3A_670] : memref<6x!tpu.dma_semaphore, #tpu.memory_space<semaphore_mem>> -> memref<1x!tpu.dma_semaphore, #tpu.memory_space<semaphore_mem>>
    %dma_start3A_678 = tpu.memref_squeeze %dma_start3A_677 : memref<1x!tpu.dma_semaphore, #tpu.memory_space<semaphore_mem>> -> memref<!tpu.dma_semaphore, #tpu.memory_space<semaphore_mem>>
    %dma_start3A_679 = arith.constant 0 : i32
    %dma_start3A_680 = tpu.memref_slice %arg4[%add3A_668, %dma_start3A_679] : memref<65536x128xf32, #tpu.memory_space<hbm>> -> memref<128x128xf32, #tpu.memory_space<hbm>>
    %dma_start3A_681 = arith.constant 0 : i32
    %dma_start3A_682 = arith.constant 0 : i32
    %dma_start3A_683 = tpu.memref_slice %arg6[%dma_start3A_669, %dma_start3A_681, %dma_start3A_682] : memref<6x128x128xf32, #tpu.memory_space<vmem>> -> memref<1x128x128xf32, #tpu.memory_space<vmem>>
    %dma_start3A_684 = tpu.memref_squeeze %dma_start3A_683 : memref<1x128x128xf32, #tpu.memory_space<vmem>> -> memref<128x128xf32, #tpu.memory_space<vmem>>
    tpu.enqueue_dma source(%dma_start3A_684 : memref<128x128xf32, #tpu.memory_space<vmem>>) target(%dma_start3A_680 : memref<128x128xf32, #tpu.memory_space<hbm>>) target_semaphore(%dma_start3A_678 : memref<!tpu.dma_semaphore, #tpu.memory_space<semaphore_mem>>)
    %add3A_685 = arith.constant 1024 : i32
    %add3A_686 = arith.addi %mul3A_2, %add3A_685 : i32
    %dma_wait3A_687 = arith.constant 2 : i32
    %dma_wait3A_688 = arith.constant 2 : i32
    %dma_wait3A_689 = arith.constant 0 : i32
    %dma_wait3A_690 = arith.constant 0 : i32
    %dma_wait3A_691 = tpu.memref_slice %arg6[%dma_wait3A_687, %dma_wait3A_689, %dma_wait3A_690] : memref<6x128x128xf32, #tpu.memory_space<vmem>> -> memref<1x128x128xf32, #tpu.memory_space<vmem>>
    %dma_wait3A_692 = tpu.memref_squeeze %dma_wait3A_691 : memref<1x128x128xf32, #tpu.memory_space<vmem>> -> memref<128x128xf32, #tpu.memory_space<vmem>>
    %dma_wait3A_693 = arith.constant 0 : i32
    %dma_wait3A_694 = tpu.memref_slice %arg4[%add3A_686, %dma_wait3A_693] : memref<65536x128xf32, #tpu.memory_space<hbm>> -> memref<128x128xf32, #tpu.memory_space<hbm>>
    %dma_wait3A_695 = tpu.memref_slice %arg8[%dma_wait3A_688] : memref<6x!tpu.dma_semaphore, #tpu.memory_space<semaphore_mem>> -> memref<1x!tpu.dma_semaphore, #tpu.memory_space<semaphore_mem>>
    %dma_wait3A_696 = tpu.memref_squeeze %dma_wait3A_695 : memref<1x!tpu.dma_semaphore, #tpu.memory_space<semaphore_mem>> -> memref<!tpu.dma_semaphore, #tpu.memory_space<semaphore_mem>>
    %dma_wait3A_697 = arith.constant 0 : i32
    %dma_wait3A_698 = tpu.memref_slice %arg4[%add3A_686, %dma_wait3A_697] : memref<65536x128xf32, #tpu.memory_space<hbm>> -> memref<128x128xf32, #tpu.memory_space<hbm>>
    %dma_wait3A_699 = arith.constant 0 : i32
    %dma_wait3A_700 = arith.constant 0 : i32
    %dma_wait3A_701 = tpu.memref_slice %arg6[%dma_wait3A_687, %dma_wait3A_699, %dma_wait3A_700] : memref<6x128x128xf32, #tpu.memory_space<vmem>> -> memref<1x128x128xf32, #tpu.memory_space<vmem>>
    %dma_wait3A_702 = tpu.memref_squeeze %dma_wait3A_701 : memref<1x128x128xf32, #tpu.memory_space<vmem>> -> memref<128x128xf32, #tpu.memory_space<vmem>>
    tpu.wait_dma2 semaphore(%dma_wait3A_696 : memref<!tpu.dma_semaphore, #tpu.memory_space<semaphore_mem>>) src(%dma_wait3A_702 : memref<128x128xf32, #tpu.memory_space<vmem>>) dst(%dma_wait3A_698 : memref<128x128xf32, #tpu.memory_space<hbm>>)
    %dma_start3A_703 = arith.constant 14 : i32
    %dma_start3A_704 = arith.constant 2 : i32
    %dma_start3A_705 = arith.constant 2 : i32
    %dma_start3A_706 = arith.constant 0 : i32
    %dma_start3A_707 = arith.constant 0 : i32
    %dma_start3A_708 = tpu.memref_slice %arg6[%dma_start3A_704, %dma_start3A_706, %dma_start3A_707] : memref<6x128x128xf32, #tpu.memory_space<vmem>> -> memref<1x128x128xf32, #tpu.memory_space<vmem>>
    %dma_start3A_709 = tpu.memref_squeeze %dma_start3A_708 : memref<1x128x128xf32, #tpu.memory_space<vmem>> -> memref<128x128xf32, #tpu.memory_space<vmem>>
    %dma_start3A_710 = arith.constant 0 : i32
    %dma_start3A_711 = tpu.memref_slice %arg5[%dma_start3A_703, %dma_start3A_710] : memref<16x128xi32, #tpu.memory_space<vmem>> -> memref<1x128xi32, #tpu.memory_space<vmem>>
    %dma_start3A_712 = tpu.memref_squeeze %dma_start3A_711 : memref<1x128xi32, #tpu.memory_space<vmem>> -> memref<128xi32, #tpu.memory_space<vmem>>
    %dma_start3A_713 = arith.constant 0 : i32
    %dma_start3A_714 = arith.constant 0 : i32
    %dma_start3A_715 = tpu.memref_slice %arg2[%dma_start3A_713, %dma_start3A_714] : memref<262144x128xf32, #tpu.memory_space<hbm>> -> memref<262144x128xf32, #tpu.memory_space<hbm>>
    %dma_start3A_716 = tpu.memref_slice %arg7[%dma_start3A_705] : memref<6x!tpu.dma_semaphore, #tpu.memory_space<semaphore_mem>> -> memref<1x!tpu.dma_semaphore, #tpu.memory_space<semaphore_mem>>
    %dma_start3A_717 = tpu.memref_squeeze %dma_start3A_716 : memref<1x!tpu.dma_semaphore, #tpu.memory_space<semaphore_mem>> -> memref<!tpu.dma_semaphore, #tpu.memory_space<semaphore_mem>>
    tpu.enqueue_indirect_dma source(%dma_start3A_715 : memref<262144x128xf32, #tpu.memory_space<hbm>>) target(%dma_start3A_709 : memref<128x128xf32, #tpu.memory_space<vmem>>) offsets(%dma_start3A_712 : memref<128xi32, #tpu.memory_space<vmem>>) semaphore(%dma_start3A_717 : memref<!tpu.dma_semaphore, #tpu.memory_space<semaphore_mem>>)
    %dma_wait3A_718 = arith.constant 10 : i32
    %dma_wait3A_719 = arith.constant 4 : i32
    %dma_wait3A_720 = arith.constant 4 : i32
    %dma_wait3A_721 = arith.constant 0 : i32
    %dma_wait3A_722 = arith.constant 0 : i32
    %dma_wait3A_723 = tpu.memref_slice %arg6[%dma_wait3A_719, %dma_wait3A_721, %dma_wait3A_722] : memref<6x128x128xf32, #tpu.memory_space<vmem>> -> memref<1x128x128xf32, #tpu.memory_space<vmem>>
    %dma_wait3A_724 = tpu.memref_squeeze %dma_wait3A_723 : memref<1x128x128xf32, #tpu.memory_space<vmem>> -> memref<128x128xf32, #tpu.memory_space<vmem>>
    %dma_wait3A_725 = arith.constant 0 : i32
    %dma_wait3A_726 = tpu.memref_slice %arg5[%dma_wait3A_718, %dma_wait3A_725] : memref<16x128xi32, #tpu.memory_space<vmem>> -> memref<1x128xi32, #tpu.memory_space<vmem>>
    %dma_wait3A_727 = tpu.memref_squeeze %dma_wait3A_726 : memref<1x128xi32, #tpu.memory_space<vmem>> -> memref<128xi32, #tpu.memory_space<vmem>>
    %dma_wait3A_728 = arith.constant 0 : i32
    %dma_wait3A_729 = arith.constant 0 : i32
    %dma_wait3A_730 = tpu.memref_slice %arg2[%dma_wait3A_728, %dma_wait3A_729] : memref<262144x128xf32, #tpu.memory_space<hbm>> -> memref<262144x128xf32, #tpu.memory_space<hbm>>
    %dma_wait3A_731 = tpu.memref_slice %arg7[%dma_wait3A_720] : memref<6x!tpu.dma_semaphore, #tpu.memory_space<semaphore_mem>> -> memref<1x!tpu.dma_semaphore, #tpu.memory_space<semaphore_mem>>
    %dma_wait3A_732 = tpu.memref_squeeze %dma_wait3A_731 : memref<1x!tpu.dma_semaphore, #tpu.memory_space<semaphore_mem>> -> memref<!tpu.dma_semaphore, #tpu.memory_space<semaphore_mem>>
    tpu.wait_indirect_dma semaphore(%dma_wait3A_732 : memref<!tpu.dma_semaphore, #tpu.memory_space<semaphore_mem>>) src(%dma_wait3A_730 : memref<262144x128xf32, #tpu.memory_space<hbm>>) dst(%dma_wait3A_724 : memref<128x128xf32, #tpu.memory_space<vmem>>)
    %add3A_733 = arith.constant 1280 : i32
    %add3A_734 = arith.addi %mul3A_2, %add3A_733 : i32
    %dma_start3A_735 = arith.constant 4 : i32
    %dma_start3A_736 = arith.constant 4 : i32
    %dma_start3A_737 = arith.constant 0 : i32
    %dma_start3A_738 = arith.constant 0 : i32
    %dma_start3A_739 = tpu.memref_slice %arg6[%dma_start3A_735, %dma_start3A_737, %dma_start3A_738] : memref<6x128x128xf32, #tpu.memory_space<vmem>> -> memref<1x128x128xf32, #tpu.memory_space<vmem>>
    %dma_start3A_740 = tpu.memref_squeeze %dma_start3A_739 : memref<1x128x128xf32, #tpu.memory_space<vmem>> -> memref<128x128xf32, #tpu.memory_space<vmem>>
    %dma_start3A_741 = arith.constant 0 : i32
    %dma_start3A_742 = tpu.memref_slice %arg4[%add3A_734, %dma_start3A_741] : memref<65536x128xf32, #tpu.memory_space<hbm>> -> memref<128x128xf32, #tpu.memory_space<hbm>>
    %dma_start3A_743 = tpu.memref_slice %arg8[%dma_start3A_736] : memref<6x!tpu.dma_semaphore, #tpu.memory_space<semaphore_mem>> -> memref<1x!tpu.dma_semaphore, #tpu.memory_space<semaphore_mem>>
    %dma_start3A_744 = tpu.memref_squeeze %dma_start3A_743 : memref<1x!tpu.dma_semaphore, #tpu.memory_space<semaphore_mem>> -> memref<!tpu.dma_semaphore, #tpu.memory_space<semaphore_mem>>
    %dma_start3A_745 = arith.constant 0 : i32
    %dma_start3A_746 = tpu.memref_slice %arg4[%add3A_734, %dma_start3A_745] : memref<65536x128xf32, #tpu.memory_space<hbm>> -> memref<128x128xf32, #tpu.memory_space<hbm>>
    %dma_start3A_747 = arith.constant 0 : i32
    %dma_start3A_748 = arith.constant 0 : i32
    %dma_start3A_749 = tpu.memref_slice %arg6[%dma_start3A_735, %dma_start3A_747, %dma_start3A_748] : memref<6x128x128xf32, #tpu.memory_space<vmem>> -> memref<1x128x128xf32, #tpu.memory_space<vmem>>
    %dma_start3A_750 = tpu.memref_squeeze %dma_start3A_749 : memref<1x128x128xf32, #tpu.memory_space<vmem>> -> memref<128x128xf32, #tpu.memory_space<vmem>>
    tpu.enqueue_dma source(%dma_start3A_750 : memref<128x128xf32, #tpu.memory_space<vmem>>) target(%dma_start3A_746 : memref<128x128xf32, #tpu.memory_space<hbm>>) target_semaphore(%dma_start3A_744 : memref<!tpu.dma_semaphore, #tpu.memory_space<semaphore_mem>>)
    %add3A_751 = arith.constant 1152 : i32
    %add3A_752 = arith.addi %mul3A_2, %add3A_751 : i32
    %dma_wait3A_753 = arith.constant 3 : i32
    %dma_wait3A_754 = arith.constant 3 : i32
    %dma_wait3A_755 = arith.constant 0 : i32
    %dma_wait3A_756 = arith.constant 0 : i32
    %dma_wait3A_757 = tpu.memref_slice %arg6[%dma_wait3A_753, %dma_wait3A_755, %dma_wait3A_756] : memref<6x128x128xf32, #tpu.memory_space<vmem>> -> memref<1x128x128xf32, #tpu.memory_space<vmem>>
    %dma_wait3A_758 = tpu.memref_squeeze %dma_wait3A_757 : memref<1x128x128xf32, #tpu.memory_space<vmem>> -> memref<128x128xf32, #tpu.memory_space<vmem>>
    %dma_wait3A_759 = arith.constant 0 : i32
    %dma_wait3A_760 = tpu.memref_slice %arg4[%add3A_752, %dma_wait3A_759] : memref<65536x128xf32, #tpu.memory_space<hbm>> -> memref<128x128xf32, #tpu.memory_space<hbm>>
    %dma_wait3A_761 = tpu.memref_slice %arg8[%dma_wait3A_754] : memref<6x!tpu.dma_semaphore, #tpu.memory_space<semaphore_mem>> -> memref<1x!tpu.dma_semaphore, #tpu.memory_space<semaphore_mem>>
    %dma_wait3A_762 = tpu.memref_squeeze %dma_wait3A_761 : memref<1x!tpu.dma_semaphore, #tpu.memory_space<semaphore_mem>> -> memref<!tpu.dma_semaphore, #tpu.memory_space<semaphore_mem>>
    %dma_wait3A_763 = arith.constant 0 : i32
    %dma_wait3A_764 = tpu.memref_slice %arg4[%add3A_752, %dma_wait3A_763] : memref<65536x128xf32, #tpu.memory_space<hbm>> -> memref<128x128xf32, #tpu.memory_space<hbm>>
    %dma_wait3A_765 = arith.constant 0 : i32
    %dma_wait3A_766 = arith.constant 0 : i32
    %dma_wait3A_767 = tpu.memref_slice %arg6[%dma_wait3A_753, %dma_wait3A_765, %dma_wait3A_766] : memref<6x128x128xf32, #tpu.memory_space<vmem>> -> memref<1x128x128xf32, #tpu.memory_space<vmem>>
    %dma_wait3A_768 = tpu.memref_squeeze %dma_wait3A_767 : memref<1x128x128xf32, #tpu.memory_space<vmem>> -> memref<128x128xf32, #tpu.memory_space<vmem>>
    tpu.wait_dma2 semaphore(%dma_wait3A_762 : memref<!tpu.dma_semaphore, #tpu.memory_space<semaphore_mem>>) src(%dma_wait3A_768 : memref<128x128xf32, #tpu.memory_space<vmem>>) dst(%dma_wait3A_764 : memref<128x128xf32, #tpu.memory_space<hbm>>)
    %dma_start3A_769 = arith.constant 15 : i32
    %dma_start3A_770 = arith.constant 3 : i32
    %dma_start3A_771 = arith.constant 3 : i32
    %dma_start3A_772 = arith.constant 0 : i32
    %dma_start3A_773 = arith.constant 0 : i32
    %dma_start3A_774 = tpu.memref_slice %arg6[%dma_start3A_770, %dma_start3A_772, %dma_start3A_773] : memref<6x128x128xf32, #tpu.memory_space<vmem>> -> memref<1x128x128xf32, #tpu.memory_space<vmem>>
    %dma_start3A_775 = tpu.memref_squeeze %dma_start3A_774 : memref<1x128x128xf32, #tpu.memory_space<vmem>> -> memref<128x128xf32, #tpu.memory_space<vmem>>
    %dma_start3A_776 = arith.constant 0 : i32
    %dma_start3A_777 = tpu.memref_slice %arg5[%dma_start3A_769, %dma_start3A_776] : memref<16x128xi32, #tpu.memory_space<vmem>> -> memref<1x128xi32, #tpu.memory_space<vmem>>
    %dma_start3A_778 = tpu.memref_squeeze %dma_start3A_777 : memref<1x128xi32, #tpu.memory_space<vmem>> -> memref<128xi32, #tpu.memory_space<vmem>>
    %dma_start3A_779 = arith.constant 0 : i32
    %dma_start3A_780 = arith.constant 0 : i32
    %dma_start3A_781 = tpu.memref_slice %arg2[%dma_start3A_779, %dma_start3A_780] : memref<262144x128xf32, #tpu.memory_space<hbm>> -> memref<262144x128xf32, #tpu.memory_space<hbm>>
    %dma_start3A_782 = tpu.memref_slice %arg7[%dma_start3A_771] : memref<6x!tpu.dma_semaphore, #tpu.memory_space<semaphore_mem>> -> memref<1x!tpu.dma_semaphore, #tpu.memory_space<semaphore_mem>>
    %dma_start3A_783 = tpu.memref_squeeze %dma_start3A_782 : memref<1x!tpu.dma_semaphore, #tpu.memory_space<semaphore_mem>> -> memref<!tpu.dma_semaphore, #tpu.memory_space<semaphore_mem>>
    tpu.enqueue_indirect_dma source(%dma_start3A_781 : memref<262144x128xf32, #tpu.memory_space<hbm>>) target(%dma_start3A_775 : memref<128x128xf32, #tpu.memory_space<vmem>>) offsets(%dma_start3A_778 : memref<128xi32, #tpu.memory_space<vmem>>) semaphore(%dma_start3A_783 : memref<!tpu.dma_semaphore, #tpu.memory_space<semaphore_mem>>)
    %dma_wait3A_784 = arith.constant 11 : i32
    %dma_wait3A_785 = arith.constant 5 : i32
    %dma_wait3A_786 = arith.constant 5 : i32
    %dma_wait3A_787 = arith.constant 0 : i32
    %dma_wait3A_788 = arith.constant 0 : i32
    %dma_wait3A_789 = tpu.memref_slice %arg6[%dma_wait3A_785, %dma_wait3A_787, %dma_wait3A_788] : memref<6x128x128xf32, #tpu.memory_space<vmem>> -> memref<1x128x128xf32, #tpu.memory_space<vmem>>
    %dma_wait3A_790 = tpu.memref_squeeze %dma_wait3A_789 : memref<1x128x128xf32, #tpu.memory_space<vmem>> -> memref<128x128xf32, #tpu.memory_space<vmem>>
    %dma_wait3A_791 = arith.constant 0 : i32
    %dma_wait3A_792 = tpu.memref_slice %arg5[%dma_wait3A_784, %dma_wait3A_791] : memref<16x128xi32, #tpu.memory_space<vmem>> -> memref<1x128xi32, #tpu.memory_space<vmem>>
    %dma_wait3A_793 = tpu.memref_squeeze %dma_wait3A_792 : memref<1x128xi32, #tpu.memory_space<vmem>> -> memref<128xi32, #tpu.memory_space<vmem>>
    %dma_wait3A_794 = arith.constant 0 : i32
    %dma_wait3A_795 = arith.constant 0 : i32
    %dma_wait3A_796 = tpu.memref_slice %arg2[%dma_wait3A_794, %dma_wait3A_795] : memref<262144x128xf32, #tpu.memory_space<hbm>> -> memref<262144x128xf32, #tpu.memory_space<hbm>>
    %dma_wait3A_797 = tpu.memref_slice %arg7[%dma_wait3A_786] : memref<6x!tpu.dma_semaphore, #tpu.memory_space<semaphore_mem>> -> memref<1x!tpu.dma_semaphore, #tpu.memory_space<semaphore_mem>>
    %dma_wait3A_798 = tpu.memref_squeeze %dma_wait3A_797 : memref<1x!tpu.dma_semaphore, #tpu.memory_space<semaphore_mem>> -> memref<!tpu.dma_semaphore, #tpu.memory_space<semaphore_mem>>
    tpu.wait_indirect_dma semaphore(%dma_wait3A_798 : memref<!tpu.dma_semaphore, #tpu.memory_space<semaphore_mem>>) src(%dma_wait3A_796 : memref<262144x128xf32, #tpu.memory_space<hbm>>) dst(%dma_wait3A_790 : memref<128x128xf32, #tpu.memory_space<vmem>>)
    %add3A_799 = arith.constant 1408 : i32
    %add3A_800 = arith.addi %mul3A_2, %add3A_799 : i32
    %dma_start3A_801 = arith.constant 5 : i32
    %dma_start3A_802 = arith.constant 5 : i32
    %dma_start3A_803 = arith.constant 0 : i32
    %dma_start3A_804 = arith.constant 0 : i32
    %dma_start3A_805 = tpu.memref_slice %arg6[%dma_start3A_801, %dma_start3A_803, %dma_start3A_804] : memref<6x128x128xf32, #tpu.memory_space<vmem>> -> memref<1x128x128xf32, #tpu.memory_space<vmem>>
    %dma_start3A_806 = tpu.memref_squeeze %dma_start3A_805 : memref<1x128x128xf32, #tpu.memory_space<vmem>> -> memref<128x128xf32, #tpu.memory_space<vmem>>
    %dma_start3A_807 = arith.constant 0 : i32
    %dma_start3A_808 = tpu.memref_slice %arg4[%add3A_800, %dma_start3A_807] : memref<65536x128xf32, #tpu.memory_space<hbm>> -> memref<128x128xf32, #tpu.memory_space<hbm>>
    %dma_start3A_809 = tpu.memref_slice %arg8[%dma_start3A_802] : memref<6x!tpu.dma_semaphore, #tpu.memory_space<semaphore_mem>> -> memref<1x!tpu.dma_semaphore, #tpu.memory_space<semaphore_mem>>
    %dma_start3A_810 = tpu.memref_squeeze %dma_start3A_809 : memref<1x!tpu.dma_semaphore, #tpu.memory_space<semaphore_mem>> -> memref<!tpu.dma_semaphore, #tpu.memory_space<semaphore_mem>>
    %dma_start3A_811 = arith.constant 0 : i32
    %dma_start3A_812 = tpu.memref_slice %arg4[%add3A_800, %dma_start3A_811] : memref<65536x128xf32, #tpu.memory_space<hbm>> -> memref<128x128xf32, #tpu.memory_space<hbm>>
    %dma_start3A_813 = arith.constant 0 : i32
    %dma_start3A_814 = arith.constant 0 : i32
    %dma_start3A_815 = tpu.memref_slice %arg6[%dma_start3A_801, %dma_start3A_813, %dma_start3A_814] : memref<6x128x128xf32, #tpu.memory_space<vmem>> -> memref<1x128x128xf32, #tpu.memory_space<vmem>>
    %dma_start3A_816 = tpu.memref_squeeze %dma_start3A_815 : memref<1x128x128xf32, #tpu.memory_space<vmem>> -> memref<128x128xf32, #tpu.memory_space<vmem>>
    tpu.enqueue_dma source(%dma_start3A_816 : memref<128x128xf32, #tpu.memory_space<vmem>>) target(%dma_start3A_812 : memref<128x128xf32, #tpu.memory_space<hbm>>) target_semaphore(%dma_start3A_810 : memref<!tpu.dma_semaphore, #tpu.memory_space<semaphore_mem>>)
    %add3A_817 = arith.constant 1280 : i32
    %add3A_818 = arith.addi %mul3A_2, %add3A_817 : i32
    %dma_wait3A_819 = arith.constant 4 : i32
    %dma_wait3A_820 = arith.constant 4 : i32
    %dma_wait3A_821 = arith.constant 0 : i32
    %dma_wait3A_822 = arith.constant 0 : i32
    %dma_wait3A_823 = tpu.memref_slice %arg6[%dma_wait3A_819, %dma_wait3A_821, %dma_wait3A_822] : memref<6x128x128xf32, #tpu.memory_space<vmem>> -> memref<1x128x128xf32, #tpu.memory_space<vmem>>
    %dma_wait3A_824 = tpu.memref_squeeze %dma_wait3A_823 : memref<1x128x128xf32, #tpu.memory_space<vmem>> -> memref<128x128xf32, #tpu.memory_space<vmem>>
    %dma_wait3A_825 = arith.constant 0 : i32
    %dma_wait3A_826 = tpu.memref_slice %arg4[%add3A_818, %dma_wait3A_825] : memref<65536x128xf32, #tpu.memory_space<hbm>> -> memref<128x128xf32, #tpu.memory_space<hbm>>
    %dma_wait3A_827 = tpu.memref_slice %arg8[%dma_wait3A_820] : memref<6x!tpu.dma_semaphore, #tpu.memory_space<semaphore_mem>> -> memref<1x!tpu.dma_semaphore, #tpu.memory_space<semaphore_mem>>
    %dma_wait3A_828 = tpu.memref_squeeze %dma_wait3A_827 : memref<1x!tpu.dma_semaphore, #tpu.memory_space<semaphore_mem>> -> memref<!tpu.dma_semaphore, #tpu.memory_space<semaphore_mem>>
    %dma_wait3A_829 = arith.constant 0 : i32
    %dma_wait3A_830 = tpu.memref_slice %arg4[%add3A_818, %dma_wait3A_829] : memref<65536x128xf32, #tpu.memory_space<hbm>> -> memref<128x128xf32, #tpu.memory_space<hbm>>
    %dma_wait3A_831 = arith.constant 0 : i32
    %dma_wait3A_832 = arith.constant 0 : i32
    %dma_wait3A_833 = tpu.memref_slice %arg6[%dma_wait3A_819, %dma_wait3A_831, %dma_wait3A_832] : memref<6x128x128xf32, #tpu.memory_space<vmem>> -> memref<1x128x128xf32, #tpu.memory_space<vmem>>
    %dma_wait3A_834 = tpu.memref_squeeze %dma_wait3A_833 : memref<1x128x128xf32, #tpu.memory_space<vmem>> -> memref<128x128xf32, #tpu.memory_space<vmem>>
    tpu.wait_dma2 semaphore(%dma_wait3A_828 : memref<!tpu.dma_semaphore, #tpu.memory_space<semaphore_mem>>) src(%dma_wait3A_834 : memref<128x128xf32, #tpu.memory_space<vmem>>) dst(%dma_wait3A_830 : memref<128x128xf32, #tpu.memory_space<hbm>>)
    %dma_wait3A_835 = arith.constant 12 : i32
    %dma_wait3A_836 = arith.constant 0 : i32
    %dma_wait3A_837 = arith.constant 0 : i32
    %dma_wait3A_838 = arith.constant 0 : i32
    %dma_wait3A_839 = arith.constant 0 : i32
    %dma_wait3A_840 = tpu.memref_slice %arg6[%dma_wait3A_836, %dma_wait3A_838, %dma_wait3A_839] : memref<6x128x128xf32, #tpu.memory_space<vmem>> -> memref<1x128x128xf32, #tpu.memory_space<vmem>>
    %dma_wait3A_841 = tpu.memref_squeeze %dma_wait3A_840 : memref<1x128x128xf32, #tpu.memory_space<vmem>> -> memref<128x128xf32, #tpu.memory_space<vmem>>
    %dma_wait3A_842 = arith.constant 0 : i32
    %dma_wait3A_843 = tpu.memref_slice %arg5[%dma_wait3A_835, %dma_wait3A_842] : memref<16x128xi32, #tpu.memory_space<vmem>> -> memref<1x128xi32, #tpu.memory_space<vmem>>
    %dma_wait3A_844 = tpu.memref_squeeze %dma_wait3A_843 : memref<1x128xi32, #tpu.memory_space<vmem>> -> memref<128xi32, #tpu.memory_space<vmem>>
    %dma_wait3A_845 = arith.constant 0 : i32
    %dma_wait3A_846 = arith.constant 0 : i32
    %dma_wait3A_847 = tpu.memref_slice %arg2[%dma_wait3A_845, %dma_wait3A_846] : memref<262144x128xf32, #tpu.memory_space<hbm>> -> memref<262144x128xf32, #tpu.memory_space<hbm>>
    %dma_wait3A_848 = tpu.memref_slice %arg7[%dma_wait3A_837] : memref<6x!tpu.dma_semaphore, #tpu.memory_space<semaphore_mem>> -> memref<1x!tpu.dma_semaphore, #tpu.memory_space<semaphore_mem>>
    %dma_wait3A_849 = tpu.memref_squeeze %dma_wait3A_848 : memref<1x!tpu.dma_semaphore, #tpu.memory_space<semaphore_mem>> -> memref<!tpu.dma_semaphore, #tpu.memory_space<semaphore_mem>>
    tpu.wait_indirect_dma semaphore(%dma_wait3A_849 : memref<!tpu.dma_semaphore, #tpu.memory_space<semaphore_mem>>) src(%dma_wait3A_847 : memref<262144x128xf32, #tpu.memory_space<hbm>>) dst(%dma_wait3A_841 : memref<128x128xf32, #tpu.memory_space<vmem>>)
    %add3A_850 = arith.constant 1536 : i32
    %add3A_851 = arith.addi %mul3A_2, %add3A_850 : i32
    %dma_start3A_852 = arith.constant 0 : i32
    %dma_start3A_853 = arith.constant 0 : i32
    %dma_start3A_854 = arith.constant 0 : i32
    %dma_start3A_855 = arith.constant 0 : i32
    %dma_start3A_856 = tpu.memref_slice %arg6[%dma_start3A_852, %dma_start3A_854, %dma_start3A_855] : memref<6x128x128xf32, #tpu.memory_space<vmem>> -> memref<1x128x128xf32, #tpu.memory_space<vmem>>
    %dma_start3A_857 = tpu.memref_squeeze %dma_start3A_856 : memref<1x128x128xf32, #tpu.memory_space<vmem>> -> memref<128x128xf32, #tpu.memory_space<vmem>>
    %dma_start3A_858 = arith.constant 0 : i32
    %dma_start3A_859 = tpu.memref_slice %arg4[%add3A_851, %dma_start3A_858] : memref<65536x128xf32, #tpu.memory_space<hbm>> -> memref<128x128xf32, #tpu.memory_space<hbm>>
    %dma_start3A_860 = tpu.memref_slice %arg8[%dma_start3A_853] : memref<6x!tpu.dma_semaphore, #tpu.memory_space<semaphore_mem>> -> memref<1x!tpu.dma_semaphore, #tpu.memory_space<semaphore_mem>>
    %dma_start3A_861 = tpu.memref_squeeze %dma_start3A_860 : memref<1x!tpu.dma_semaphore, #tpu.memory_space<semaphore_mem>> -> memref<!tpu.dma_semaphore, #tpu.memory_space<semaphore_mem>>
    %dma_start3A_862 = arith.constant 0 : i32
    %dma_start3A_863 = tpu.memref_slice %arg4[%add3A_851, %dma_start3A_862] : memref<65536x128xf32, #tpu.memory_space<hbm>> -> memref<128x128xf32, #tpu.memory_space<hbm>>
    %dma_start3A_864 = arith.constant 0 : i32
    %dma_start3A_865 = arith.constant 0 : i32
    %dma_start3A_866 = tpu.memref_slice %arg6[%dma_start3A_852, %dma_start3A_864, %dma_start3A_865] : memref<6x128x128xf32, #tpu.memory_space<vmem>> -> memref<1x128x128xf32, #tpu.memory_space<vmem>>
    %dma_start3A_867 = tpu.memref_squeeze %dma_start3A_866 : memref<1x128x128xf32, #tpu.memory_space<vmem>> -> memref<128x128xf32, #tpu.memory_space<vmem>>
    tpu.enqueue_dma source(%dma_start3A_867 : memref<128x128xf32, #tpu.memory_space<vmem>>) target(%dma_start3A_863 : memref<128x128xf32, #tpu.memory_space<hbm>>) target_semaphore(%dma_start3A_861 : memref<!tpu.dma_semaphore, #tpu.memory_space<semaphore_mem>>)
    %add3A_868 = arith.constant 1408 : i32
    %add3A_869 = arith.addi %mul3A_2, %add3A_868 : i32
    %dma_wait3A_870 = arith.constant 5 : i32
    %dma_wait3A_871 = arith.constant 5 : i32
    %dma_wait3A_872 = arith.constant 0 : i32
    %dma_wait3A_873 = arith.constant 0 : i32
    %dma_wait3A_874 = tpu.memref_slice %arg6[%dma_wait3A_870, %dma_wait3A_872, %dma_wait3A_873] : memref<6x128x128xf32, #tpu.memory_space<vmem>> -> memref<1x128x128xf32, #tpu.memory_space<vmem>>
    %dma_wait3A_875 = tpu.memref_squeeze %dma_wait3A_874 : memref<1x128x128xf32, #tpu.memory_space<vmem>> -> memref<128x128xf32, #tpu.memory_space<vmem>>
    %dma_wait3A_876 = arith.constant 0 : i32
    %dma_wait3A_877 = tpu.memref_slice %arg4[%add3A_869, %dma_wait3A_876] : memref<65536x128xf32, #tpu.memory_space<hbm>> -> memref<128x128xf32, #tpu.memory_space<hbm>>
    %dma_wait3A_878 = tpu.memref_slice %arg8[%dma_wait3A_871] : memref<6x!tpu.dma_semaphore, #tpu.memory_space<semaphore_mem>> -> memref<1x!tpu.dma_semaphore, #tpu.memory_space<semaphore_mem>>
    %dma_wait3A_879 = tpu.memref_squeeze %dma_wait3A_878 : memref<1x!tpu.dma_semaphore, #tpu.memory_space<semaphore_mem>> -> memref<!tpu.dma_semaphore, #tpu.memory_space<semaphore_mem>>
    %dma_wait3A_880 = arith.constant 0 : i32
    %dma_wait3A_881 = tpu.memref_slice %arg4[%add3A_869, %dma_wait3A_880] : memref<65536x128xf32, #tpu.memory_space<hbm>> -> memref<128x128xf32, #tpu.memory_space<hbm>>
    %dma_wait3A_882 = arith.constant 0 : i32
    %dma_wait3A_883 = arith.constant 0 : i32
    %dma_wait3A_884 = tpu.memref_slice %arg6[%dma_wait3A_870, %dma_wait3A_882, %dma_wait3A_883] : memref<6x128x128xf32, #tpu.memory_space<vmem>> -> memref<1x128x128xf32, #tpu.memory_space<vmem>>
    %dma_wait3A_885 = tpu.memref_squeeze %dma_wait3A_884 : memref<1x128x128xf32, #tpu.memory_space<vmem>> -> memref<128x128xf32, #tpu.memory_space<vmem>>
    tpu.wait_dma2 semaphore(%dma_wait3A_879 : memref<!tpu.dma_semaphore, #tpu.memory_space<semaphore_mem>>) src(%dma_wait3A_885 : memref<128x128xf32, #tpu.memory_space<vmem>>) dst(%dma_wait3A_881 : memref<128x128xf32, #tpu.memory_space<hbm>>)
    %dma_wait3A_886 = arith.constant 13 : i32
    %dma_wait3A_887 = arith.constant 1 : i32
    %dma_wait3A_888 = arith.constant 1 : i32
    %dma_wait3A_889 = arith.constant 0 : i32
    %dma_wait3A_890 = arith.constant 0 : i32
    %dma_wait3A_891 = tpu.memref_slice %arg6[%dma_wait3A_887, %dma_wait3A_889, %dma_wait3A_890] : memref<6x128x128xf32, #tpu.memory_space<vmem>> -> memref<1x128x128xf32, #tpu.memory_space<vmem>>
    %dma_wait3A_892 = tpu.memref_squeeze %dma_wait3A_891 : memref<1x128x128xf32, #tpu.memory_space<vmem>> -> memref<128x128xf32, #tpu.memory_space<vmem>>
    %dma_wait3A_893 = arith.constant 0 : i32
    %dma_wait3A_894 = tpu.memref_slice %arg5[%dma_wait3A_886, %dma_wait3A_893] : memref<16x128xi32, #tpu.memory_space<vmem>> -> memref<1x128xi32, #tpu.memory_space<vmem>>
    %dma_wait3A_895 = tpu.memref_squeeze %dma_wait3A_894 : memref<1x128xi32, #tpu.memory_space<vmem>> -> memref<128xi32, #tpu.memory_space<vmem>>
    %dma_wait3A_896 = arith.constant 0 : i32
    %dma_wait3A_897 = arith.constant 0 : i32
    %dma_wait3A_898 = tpu.memref_slice %arg2[%dma_wait3A_896, %dma_wait3A_897] : memref<262144x128xf32, #tpu.memory_space<hbm>> -> memref<262144x128xf32, #tpu.memory_space<hbm>>
    %dma_wait3A_899 = tpu.memref_slice %arg7[%dma_wait3A_888] : memref<6x!tpu.dma_semaphore, #tpu.memory_space<semaphore_mem>> -> memref<1x!tpu.dma_semaphore, #tpu.memory_space<semaphore_mem>>
    %dma_wait3A_900 = tpu.memref_squeeze %dma_wait3A_899 : memref<1x!tpu.dma_semaphore, #tpu.memory_space<semaphore_mem>> -> memref<!tpu.dma_semaphore, #tpu.memory_space<semaphore_mem>>
    tpu.wait_indirect_dma semaphore(%dma_wait3A_900 : memref<!tpu.dma_semaphore, #tpu.memory_space<semaphore_mem>>) src(%dma_wait3A_898 : memref<262144x128xf32, #tpu.memory_space<hbm>>) dst(%dma_wait3A_892 : memref<128x128xf32, #tpu.memory_space<vmem>>)
    %add3A_901 = arith.constant 1664 : i32
    %add3A_902 = arith.addi %mul3A_2, %add3A_901 : i32
    %dma_start3A_903 = arith.constant 1 : i32
    %dma_start3A_904 = arith.constant 1 : i32
    %dma_start3A_905 = arith.constant 0 : i32
    %dma_start3A_906 = arith.constant 0 : i32
    %dma_start3A_907 = tpu.memref_slice %arg6[%dma_start3A_903, %dma_start3A_905, %dma_start3A_906] : memref<6x128x128xf32, #tpu.memory_space<vmem>> -> memref<1x128x128xf32, #tpu.memory_space<vmem>>
    %dma_start3A_908 = tpu.memref_squeeze %dma_start3A_907 : memref<1x128x128xf32, #tpu.memory_space<vmem>> -> memref<128x128xf32, #tpu.memory_space<vmem>>
    %dma_start3A_909 = arith.constant 0 : i32
    %dma_start3A_910 = tpu.memref_slice %arg4[%add3A_902, %dma_start3A_909] : memref<65536x128xf32, #tpu.memory_space<hbm>> -> memref<128x128xf32, #tpu.memory_space<hbm>>
    %dma_start3A_911 = tpu.memref_slice %arg8[%dma_start3A_904] : memref<6x!tpu.dma_semaphore, #tpu.memory_space<semaphore_mem>> -> memref<1x!tpu.dma_semaphore, #tpu.memory_space<semaphore_mem>>
    %dma_start3A_912 = tpu.memref_squeeze %dma_start3A_911 : memref<1x!tpu.dma_semaphore, #tpu.memory_space<semaphore_mem>> -> memref<!tpu.dma_semaphore, #tpu.memory_space<semaphore_mem>>
    %dma_start3A_913 = arith.constant 0 : i32
    %dma_start3A_914 = tpu.memref_slice %arg4[%add3A_902, %dma_start3A_913] : memref<65536x128xf32, #tpu.memory_space<hbm>> -> memref<128x128xf32, #tpu.memory_space<hbm>>
    %dma_start3A_915 = arith.constant 0 : i32
    %dma_start3A_916 = arith.constant 0 : i32
    %dma_start3A_917 = tpu.memref_slice %arg6[%dma_start3A_903, %dma_start3A_915, %dma_start3A_916] : memref<6x128x128xf32, #tpu.memory_space<vmem>> -> memref<1x128x128xf32, #tpu.memory_space<vmem>>
    %dma_start3A_918 = tpu.memref_squeeze %dma_start3A_917 : memref<1x128x128xf32, #tpu.memory_space<vmem>> -> memref<128x128xf32, #tpu.memory_space<vmem>>
    tpu.enqueue_dma source(%dma_start3A_918 : memref<128x128xf32, #tpu.memory_space<vmem>>) target(%dma_start3A_914 : memref<128x128xf32, #tpu.memory_space<hbm>>) target_semaphore(%dma_start3A_912 : memref<!tpu.dma_semaphore, #tpu.memory_space<semaphore_mem>>)
    %add3A_919 = arith.constant 1536 : i32
    %add3A_920 = arith.addi %mul3A_2, %add3A_919 : i32
    %dma_wait3A_921 = arith.constant 0 : i32
    %dma_wait3A_922 = arith.constant 0 : i32
    %dma_wait3A_923 = arith.constant 0 : i32
    %dma_wait3A_924 = arith.constant 0 : i32
    %dma_wait3A_925 = tpu.memref_slice %arg6[%dma_wait3A_921, %dma_wait3A_923, %dma_wait3A_924] : memref<6x128x128xf32, #tpu.memory_space<vmem>> -> memref<1x128x128xf32, #tpu.memory_space<vmem>>
    %dma_wait3A_926 = tpu.memref_squeeze %dma_wait3A_925 : memref<1x128x128xf32, #tpu.memory_space<vmem>> -> memref<128x128xf32, #tpu.memory_space<vmem>>
    %dma_wait3A_927 = arith.constant 0 : i32
    %dma_wait3A_928 = tpu.memref_slice %arg4[%add3A_920, %dma_wait3A_927] : memref<65536x128xf32, #tpu.memory_space<hbm>> -> memref<128x128xf32, #tpu.memory_space<hbm>>
    %dma_wait3A_929 = tpu.memref_slice %arg8[%dma_wait3A_922] : memref<6x!tpu.dma_semaphore, #tpu.memory_space<semaphore_mem>> -> memref<1x!tpu.dma_semaphore, #tpu.memory_space<semaphore_mem>>
    %dma_wait3A_930 = tpu.memref_squeeze %dma_wait3A_929 : memref<1x!tpu.dma_semaphore, #tpu.memory_space<semaphore_mem>> -> memref<!tpu.dma_semaphore, #tpu.memory_space<semaphore_mem>>
    %dma_wait3A_931 = arith.constant 0 : i32
    %dma_wait3A_932 = tpu.memref_slice %arg4[%add3A_920, %dma_wait3A_931] : memref<65536x128xf32, #tpu.memory_space<hbm>> -> memref<128x128xf32, #tpu.memory_space<hbm>>
    %dma_wait3A_933 = arith.constant 0 : i32
    %dma_wait3A_934 = arith.constant 0 : i32
    %dma_wait3A_935 = tpu.memref_slice %arg6[%dma_wait3A_921, %dma_wait3A_933, %dma_wait3A_934] : memref<6x128x128xf32, #tpu.memory_space<vmem>> -> memref<1x128x128xf32, #tpu.memory_space<vmem>>
    %dma_wait3A_936 = tpu.memref_squeeze %dma_wait3A_935 : memref<1x128x128xf32, #tpu.memory_space<vmem>> -> memref<128x128xf32, #tpu.memory_space<vmem>>
    tpu.wait_dma2 semaphore(%dma_wait3A_930 : memref<!tpu.dma_semaphore, #tpu.memory_space<semaphore_mem>>) src(%dma_wait3A_936 : memref<128x128xf32, #tpu.memory_space<vmem>>) dst(%dma_wait3A_932 : memref<128x128xf32, #tpu.memory_space<hbm>>)
    %dma_wait3A_937 = arith.constant 14 : i32
    %dma_wait3A_938 = arith.constant 2 : i32
    %dma_wait3A_939 = arith.constant 2 : i32
    %dma_wait3A_940 = arith.constant 0 : i32
    %dma_wait3A_941 = arith.constant 0 : i32
    %dma_wait3A_942 = tpu.memref_slice %arg6[%dma_wait3A_938, %dma_wait3A_940, %dma_wait3A_941] : memref<6x128x128xf32, #tpu.memory_space<vmem>> -> memref<1x128x128xf32, #tpu.memory_space<vmem>>
    %dma_wait3A_943 = tpu.memref_squeeze %dma_wait3A_942 : memref<1x128x128xf32, #tpu.memory_space<vmem>> -> memref<128x128xf32, #tpu.memory_space<vmem>>
    %dma_wait3A_944 = arith.constant 0 : i32
    %dma_wait3A_945 = tpu.memref_slice %arg5[%dma_wait3A_937, %dma_wait3A_944] : memref<16x128xi32, #tpu.memory_space<vmem>> -> memref<1x128xi32, #tpu.memory_space<vmem>>
    %dma_wait3A_946 = tpu.memref_squeeze %dma_wait3A_945 : memref<1x128xi32, #tpu.memory_space<vmem>> -> memref<128xi32, #tpu.memory_space<vmem>>
    %dma_wait3A_947 = arith.constant 0 : i32
    %dma_wait3A_948 = arith.constant 0 : i32
    %dma_wait3A_949 = tpu.memref_slice %arg2[%dma_wait3A_947, %dma_wait3A_948] : memref<262144x128xf32, #tpu.memory_space<hbm>> -> memref<262144x128xf32, #tpu.memory_space<hbm>>
    %dma_wait3A_950 = tpu.memref_slice %arg7[%dma_wait3A_939] : memref<6x!tpu.dma_semaphore, #tpu.memory_space<semaphore_mem>> -> memref<1x!tpu.dma_semaphore, #tpu.memory_space<semaphore_mem>>
    %dma_wait3A_951 = tpu.memref_squeeze %dma_wait3A_950 : memref<1x!tpu.dma_semaphore, #tpu.memory_space<semaphore_mem>> -> memref<!tpu.dma_semaphore, #tpu.memory_space<semaphore_mem>>
    tpu.wait_indirect_dma semaphore(%dma_wait3A_951 : memref<!tpu.dma_semaphore, #tpu.memory_space<semaphore_mem>>) src(%dma_wait3A_949 : memref<262144x128xf32, #tpu.memory_space<hbm>>) dst(%dma_wait3A_943 : memref<128x128xf32, #tpu.memory_space<vmem>>)
    %add3A_952 = arith.constant 1792 : i32
    %add3A_953 = arith.addi %mul3A_2, %add3A_952 : i32
    %dma_start3A_954 = arith.constant 2 : i32
    %dma_start3A_955 = arith.constant 2 : i32
    %dma_start3A_956 = arith.constant 0 : i32
    %dma_start3A_957 = arith.constant 0 : i32
    %dma_start3A_958 = tpu.memref_slice %arg6[%dma_start3A_954, %dma_start3A_956, %dma_start3A_957] : memref<6x128x128xf32, #tpu.memory_space<vmem>> -> memref<1x128x128xf32, #tpu.memory_space<vmem>>
    %dma_start3A_959 = tpu.memref_squeeze %dma_start3A_958 : memref<1x128x128xf32, #tpu.memory_space<vmem>> -> memref<128x128xf32, #tpu.memory_space<vmem>>
    %dma_start3A_960 = arith.constant 0 : i32
    %dma_start3A_961 = tpu.memref_slice %arg4[%add3A_953, %dma_start3A_960] : memref<65536x128xf32, #tpu.memory_space<hbm>> -> memref<128x128xf32, #tpu.memory_space<hbm>>
    %dma_start3A_962 = tpu.memref_slice %arg8[%dma_start3A_955] : memref<6x!tpu.dma_semaphore, #tpu.memory_space<semaphore_mem>> -> memref<1x!tpu.dma_semaphore, #tpu.memory_space<semaphore_mem>>
    %dma_start3A_963 = tpu.memref_squeeze %dma_start3A_962 : memref<1x!tpu.dma_semaphore, #tpu.memory_space<semaphore_mem>> -> memref<!tpu.dma_semaphore, #tpu.memory_space<semaphore_mem>>
    %dma_start3A_964 = arith.constant 0 : i32
    %dma_start3A_965 = tpu.memref_slice %arg4[%add3A_953, %dma_start3A_964] : memref<65536x128xf32, #tpu.memory_space<hbm>> -> memref<128x128xf32, #tpu.memory_space<hbm>>
    %dma_start3A_966 = arith.constant 0 : i32
    %dma_start3A_967 = arith.constant 0 : i32
    %dma_start3A_968 = tpu.memref_slice %arg6[%dma_start3A_954, %dma_start3A_966, %dma_start3A_967] : memref<6x128x128xf32, #tpu.memory_space<vmem>> -> memref<1x128x128xf32, #tpu.memory_space<vmem>>
    %dma_start3A_969 = tpu.memref_squeeze %dma_start3A_968 : memref<1x128x128xf32, #tpu.memory_space<vmem>> -> memref<128x128xf32, #tpu.memory_space<vmem>>
    tpu.enqueue_dma source(%dma_start3A_969 : memref<128x128xf32, #tpu.memory_space<vmem>>) target(%dma_start3A_965 : memref<128x128xf32, #tpu.memory_space<hbm>>) target_semaphore(%dma_start3A_963 : memref<!tpu.dma_semaphore, #tpu.memory_space<semaphore_mem>>)
    %add3A_970 = arith.constant 1664 : i32
    %add3A_971 = arith.addi %mul3A_2, %add3A_970 : i32
    %dma_wait3A_972 = arith.constant 1 : i32
    %dma_wait3A_973 = arith.constant 1 : i32
    %dma_wait3A_974 = arith.constant 0 : i32
    %dma_wait3A_975 = arith.constant 0 : i32
    %dma_wait3A_976 = tpu.memref_slice %arg6[%dma_wait3A_972, %dma_wait3A_974, %dma_wait3A_975] : memref<6x128x128xf32, #tpu.memory_space<vmem>> -> memref<1x128x128xf32, #tpu.memory_space<vmem>>
    %dma_wait3A_977 = tpu.memref_squeeze %dma_wait3A_976 : memref<1x128x128xf32, #tpu.memory_space<vmem>> -> memref<128x128xf32, #tpu.memory_space<vmem>>
    %dma_wait3A_978 = arith.constant 0 : i32
    %dma_wait3A_979 = tpu.memref_slice %arg4[%add3A_971, %dma_wait3A_978] : memref<65536x128xf32, #tpu.memory_space<hbm>> -> memref<128x128xf32, #tpu.memory_space<hbm>>
    %dma_wait3A_980 = tpu.memref_slice %arg8[%dma_wait3A_973] : memref<6x!tpu.dma_semaphore, #tpu.memory_space<semaphore_mem>> -> memref<1x!tpu.dma_semaphore, #tpu.memory_space<semaphore_mem>>
    %dma_wait3A_981 = tpu.memref_squeeze %dma_wait3A_980 : memref<1x!tpu.dma_semaphore, #tpu.memory_space<semaphore_mem>> -> memref<!tpu.dma_semaphore, #tpu.memory_space<semaphore_mem>>
    %dma_wait3A_982 = arith.constant 0 : i32
    %dma_wait3A_983 = tpu.memref_slice %arg4[%add3A_971, %dma_wait3A_982] : memref<65536x128xf32, #tpu.memory_space<hbm>> -> memref<128x128xf32, #tpu.memory_space<hbm>>
    %dma_wait3A_984 = arith.constant 0 : i32
    %dma_wait3A_985 = arith.constant 0 : i32
    %dma_wait3A_986 = tpu.memref_slice %arg6[%dma_wait3A_972, %dma_wait3A_984, %dma_wait3A_985] : memref<6x128x128xf32, #tpu.memory_space<vmem>> -> memref<1x128x128xf32, #tpu.memory_space<vmem>>
    %dma_wait3A_987 = tpu.memref_squeeze %dma_wait3A_986 : memref<1x128x128xf32, #tpu.memory_space<vmem>> -> memref<128x128xf32, #tpu.memory_space<vmem>>
    tpu.wait_dma2 semaphore(%dma_wait3A_981 : memref<!tpu.dma_semaphore, #tpu.memory_space<semaphore_mem>>) src(%dma_wait3A_987 : memref<128x128xf32, #tpu.memory_space<vmem>>) dst(%dma_wait3A_983 : memref<128x128xf32, #tpu.memory_space<hbm>>)
    %dma_wait3A_988 = arith.constant 15 : i32
    %dma_wait3A_989 = arith.constant 3 : i32
    %dma_wait3A_990 = arith.constant 3 : i32
    %dma_wait3A_991 = arith.constant 0 : i32
    %dma_wait3A_992 = arith.constant 0 : i32
    %dma_wait3A_993 = tpu.memref_slice %arg6[%dma_wait3A_989, %dma_wait3A_991, %dma_wait3A_992] : memref<6x128x128xf32, #tpu.memory_space<vmem>> -> memref<1x128x128xf32, #tpu.memory_space<vmem>>
    %dma_wait3A_994 = tpu.memref_squeeze %dma_wait3A_993 : memref<1x128x128xf32, #tpu.memory_space<vmem>> -> memref<128x128xf32, #tpu.memory_space<vmem>>
    %dma_wait3A_995 = arith.constant 0 : i32
    %dma_wait3A_996 = tpu.memref_slice %arg5[%dma_wait3A_988, %dma_wait3A_995] : memref<16x128xi32, #tpu.memory_space<vmem>> -> memref<1x128xi32, #tpu.memory_space<vmem>>
    %dma_wait3A_997 = tpu.memref_squeeze %dma_wait3A_996 : memref<1x128xi32, #tpu.memory_space<vmem>> -> memref<128xi32, #tpu.memory_space<vmem>>
    %dma_wait3A_998 = arith.constant 0 : i32
    %dma_wait3A_999 = arith.constant 0 : i32
    %dma_wait3A_1000 = tpu.memref_slice %arg2[%dma_wait3A_998, %dma_wait3A_999] : memref<262144x128xf32, #tpu.memory_space<hbm>> -> memref<262144x128xf32, #tpu.memory_space<hbm>>
    %dma_wait3A_1001 = tpu.memref_slice %arg7[%dma_wait3A_990] : memref<6x!tpu.dma_semaphore, #tpu.memory_space<semaphore_mem>> -> memref<1x!tpu.dma_semaphore, #tpu.memory_space<semaphore_mem>>
    %dma_wait3A_1002 = tpu.memref_squeeze %dma_wait3A_1001 : memref<1x!tpu.dma_semaphore, #tpu.memory_space<semaphore_mem>> -> memref<!tpu.dma_semaphore, #tpu.memory_space<semaphore_mem>>
    tpu.wait_indirect_dma semaphore(%dma_wait3A_1002 : memref<!tpu.dma_semaphore, #tpu.memory_space<semaphore_mem>>) src(%dma_wait3A_1000 : memref<262144x128xf32, #tpu.memory_space<hbm>>) dst(%dma_wait3A_994 : memref<128x128xf32, #tpu.memory_space<vmem>>)
    %add3A_1003 = arith.constant 1920 : i32
    %add3A_1004 = arith.addi %mul3A_2, %add3A_1003 : i32
    %dma_start3A_1005 = arith.constant 3 : i32
    %dma_start3A_1006 = arith.constant 3 : i32
    %dma_start3A_1007 = arith.constant 0 : i32
    %dma_start3A_1008 = arith.constant 0 : i32
    %dma_start3A_1009 = tpu.memref_slice %arg6[%dma_start3A_1005, %dma_start3A_1007, %dma_start3A_1008] : memref<6x128x128xf32, #tpu.memory_space<vmem>> -> memref<1x128x128xf32, #tpu.memory_space<vmem>>
    %dma_start3A_1010 = tpu.memref_squeeze %dma_start3A_1009 : memref<1x128x128xf32, #tpu.memory_space<vmem>> -> memref<128x128xf32, #tpu.memory_space<vmem>>
    %dma_start3A_1011 = arith.constant 0 : i32
    %dma_start3A_1012 = tpu.memref_slice %arg4[%add3A_1004, %dma_start3A_1011] : memref<65536x128xf32, #tpu.memory_space<hbm>> -> memref<128x128xf32, #tpu.memory_space<hbm>>
    %dma_start3A_1013 = tpu.memref_slice %arg8[%dma_start3A_1006] : memref<6x!tpu.dma_semaphore, #tpu.memory_space<semaphore_mem>> -> memref<1x!tpu.dma_semaphore, #tpu.memory_space<semaphore_mem>>
    %dma_start3A_1014 = tpu.memref_squeeze %dma_start3A_1013 : memref<1x!tpu.dma_semaphore, #tpu.memory_space<semaphore_mem>> -> memref<!tpu.dma_semaphore, #tpu.memory_space<semaphore_mem>>
    %dma_start3A_1015 = arith.constant 0 : i32
    %dma_start3A_1016 = tpu.memref_slice %arg4[%add3A_1004, %dma_start3A_1015] : memref<65536x128xf32, #tpu.memory_space<hbm>> -> memref<128x128xf32, #tpu.memory_space<hbm>>
    %dma_start3A_1017 = arith.constant 0 : i32
    %dma_start3A_1018 = arith.constant 0 : i32
    %dma_start3A_1019 = tpu.memref_slice %arg6[%dma_start3A_1005, %dma_start3A_1017, %dma_start3A_1018] : memref<6x128x128xf32, #tpu.memory_space<vmem>> -> memref<1x128x128xf32, #tpu.memory_space<vmem>>
    %dma_start3A_1020 = tpu.memref_squeeze %dma_start3A_1019 : memref<1x128x128xf32, #tpu.memory_space<vmem>> -> memref<128x128xf32, #tpu.memory_space<vmem>>
    tpu.enqueue_dma source(%dma_start3A_1020 : memref<128x128xf32, #tpu.memory_space<vmem>>) target(%dma_start3A_1016 : memref<128x128xf32, #tpu.memory_space<hbm>>) target_semaphore(%dma_start3A_1014 : memref<!tpu.dma_semaphore, #tpu.memory_space<semaphore_mem>>)
    %add3A_1021 = arith.constant 1792 : i32
    %add3A_1022 = arith.addi %mul3A_2, %add3A_1021 : i32
    %dma_wait3A_1023 = arith.constant 2 : i32
    %dma_wait3A_1024 = arith.constant 2 : i32
    %dma_wait3A_1025 = arith.constant 0 : i32
    %dma_wait3A_1026 = arith.constant 0 : i32
    %dma_wait3A_1027 = tpu.memref_slice %arg6[%dma_wait3A_1023, %dma_wait3A_1025, %dma_wait3A_1026] : memref<6x128x128xf32, #tpu.memory_space<vmem>> -> memref<1x128x128xf32, #tpu.memory_space<vmem>>
    %dma_wait3A_1028 = tpu.memref_squeeze %dma_wait3A_1027 : memref<1x128x128xf32, #tpu.memory_space<vmem>> -> memref<128x128xf32, #tpu.memory_space<vmem>>
    %dma_wait3A_1029 = arith.constant 0 : i32
    %dma_wait3A_1030 = tpu.memref_slice %arg4[%add3A_1022, %dma_wait3A_1029] : memref<65536x128xf32, #tpu.memory_space<hbm>> -> memref<128x128xf32, #tpu.memory_space<hbm>>
    %dma_wait3A_1031 = tpu.memref_slice %arg8[%dma_wait3A_1024] : memref<6x!tpu.dma_semaphore, #tpu.memory_space<semaphore_mem>> -> memref<1x!tpu.dma_semaphore, #tpu.memory_space<semaphore_mem>>
    %dma_wait3A_1032 = tpu.memref_squeeze %dma_wait3A_1031 : memref<1x!tpu.dma_semaphore, #tpu.memory_space<semaphore_mem>> -> memref<!tpu.dma_semaphore, #tpu.memory_space<semaphore_mem>>
    %dma_wait3A_1033 = arith.constant 0 : i32
    %dma_wait3A_1034 = tpu.memref_slice %arg4[%add3A_1022, %dma_wait3A_1033] : memref<65536x128xf32, #tpu.memory_space<hbm>> -> memref<128x128xf32, #tpu.memory_space<hbm>>
    %dma_wait3A_1035 = arith.constant 0 : i32
    %dma_wait3A_1036 = arith.constant 0 : i32
    %dma_wait3A_1037 = tpu.memref_slice %arg6[%dma_wait3A_1023, %dma_wait3A_1035, %dma_wait3A_1036] : memref<6x128x128xf32, #tpu.memory_space<vmem>> -> memref<1x128x128xf32, #tpu.memory_space<vmem>>
    %dma_wait3A_1038 = tpu.memref_squeeze %dma_wait3A_1037 : memref<1x128x128xf32, #tpu.memory_space<vmem>> -> memref<128x128xf32, #tpu.memory_space<vmem>>
    tpu.wait_dma2 semaphore(%dma_wait3A_1032 : memref<!tpu.dma_semaphore, #tpu.memory_space<semaphore_mem>>) src(%dma_wait3A_1038 : memref<128x128xf32, #tpu.memory_space<vmem>>) dst(%dma_wait3A_1034 : memref<128x128xf32, #tpu.memory_space<hbm>>)
    %add3A_1039 = arith.constant 1920 : i32
    %add3A_1040 = arith.addi %mul3A_2, %add3A_1039 : i32
    %dma_wait3A_1041 = arith.constant 3 : i32
    %dma_wait3A_1042 = arith.constant 3 : i32
    %dma_wait3A_1043 = arith.constant 0 : i32
    %dma_wait3A_1044 = arith.constant 0 : i32
    %dma_wait3A_1045 = tpu.memref_slice %arg6[%dma_wait3A_1041, %dma_wait3A_1043, %dma_wait3A_1044] : memref<6x128x128xf32, #tpu.memory_space<vmem>> -> memref<1x128x128xf32, #tpu.memory_space<vmem>>
    %dma_wait3A_1046 = tpu.memref_squeeze %dma_wait3A_1045 : memref<1x128x128xf32, #tpu.memory_space<vmem>> -> memref<128x128xf32, #tpu.memory_space<vmem>>
    %dma_wait3A_1047 = arith.constant 0 : i32
    %dma_wait3A_1048 = tpu.memref_slice %arg4[%add3A_1040, %dma_wait3A_1047] : memref<65536x128xf32, #tpu.memory_space<hbm>> -> memref<128x128xf32, #tpu.memory_space<hbm>>
    %dma_wait3A_1049 = tpu.memref_slice %arg8[%dma_wait3A_1042] : memref<6x!tpu.dma_semaphore, #tpu.memory_space<semaphore_mem>> -> memref<1x!tpu.dma_semaphore, #tpu.memory_space<semaphore_mem>>
    %dma_wait3A_1050 = tpu.memref_squeeze %dma_wait3A_1049 : memref<1x!tpu.dma_semaphore, #tpu.memory_space<semaphore_mem>> -> memref<!tpu.dma_semaphore, #tpu.memory_space<semaphore_mem>>
    %dma_wait3A_1051 = arith.constant 0 : i32
    %dma_wait3A_1052 = tpu.memref_slice %arg4[%add3A_1040, %dma_wait3A_1051] : memref<65536x128xf32, #tpu.memory_space<hbm>> -> memref<128x128xf32, #tpu.memory_space<hbm>>
    %dma_wait3A_1053 = arith.constant 0 : i32
    %dma_wait3A_1054 = arith.constant 0 : i32
    %dma_wait3A_1055 = tpu.memref_slice %arg6[%dma_wait3A_1041, %dma_wait3A_1053, %dma_wait3A_1054] : memref<6x128x128xf32, #tpu.memory_space<vmem>> -> memref<1x128x128xf32, #tpu.memory_space<vmem>>
    %dma_wait3A_1056 = tpu.memref_squeeze %dma_wait3A_1055 : memref<1x128x128xf32, #tpu.memory_space<vmem>> -> memref<128x128xf32, #tpu.memory_space<vmem>>
    tpu.wait_dma2 semaphore(%dma_wait3A_1050 : memref<!tpu.dma_semaphore, #tpu.memory_space<semaphore_mem>>) src(%dma_wait3A_1056 : memref<128x128xf32, #tpu.memory_space<vmem>>) dst(%dma_wait3A_1052 : memref<128x128xf32, #tpu.memory_space<hbm>>)
    return
  }
}

module attributes {stable_mosaic.version = 14 : i64} {
  func.func @_tc_bcast_body(%arg0: i32, %arg1: memref<8x32x128xi32, #tpu.memory_space<vmem>>, %arg2: memref<8x32x128x128xi32, #tpu.memory_space<vmem>>) attributes {dimension_semantics = [#tpu.dimension_semantics<arbitrary>], iteration_bounds = array<i64: 8>, scalar_prefetch = 0 : i64, scratch_operands = 0 : i64, tpu.core_type = #tpu.core_type<tc>, window_params = [{transform_indices = @transform_0, window_bounds = array<i64: 8, 32, 128>}, {transform_indices = @transform_1, window_bounds = array<i64: 8, 32, 128, 128>}]} {
    %get3A = arith.constant 0 : index
    %get3A_0 = arith.constant 0 : index
    %get3A_1 = arith.constant 0 : index
    %get3A_2 = vector.load %arg1[%get3A, %get3A_0, %get3A_1] : memref<8x32x128xi32, #tpu.memory_space<vmem>>, vector<8x32x128xi32>
    %broadcast_in_dim3A = vector.shape_cast %get3A_2 : vector<8x32x128xi32> to vector<8x32x128x1xi32>
    %broadcast_in_dim3A_3 = vector.shape_cast %broadcast_in_dim3A : vector<8x32x128x1xi32> to vector<8x32x128x1xi32>
    %broadcast_in_dim3A_4 = vector.broadcast %broadcast_in_dim3A_3 : vector<8x32x128x1xi32> to vector<8x32x128x128xi32>
    %swap3A = arith.constant 0 : index
    %swap3A_5 = arith.constant 0 : index
    %swap3A_6 = arith.constant 0 : index
    %swap3A_7 = arith.constant 0 : index
    %swap3A_8 = vector.load %arg2[%swap3A, %swap3A_5, %swap3A_6, %swap3A_7] : memref<8x32x128x128xi32, #tpu.memory_space<vmem>>, vector<8x32x128x128xi32>
    tpu.vector_store %arg2[%swap3A, %swap3A_5, %swap3A_6, %swap3A_7], %broadcast_in_dim3A_4 {strides = array<i32>} : memref<8x32x128x128xi32, #tpu.memory_space<vmem>>, vector<8x32x128x128xi32>,
    return
  }
  func.func @transform_0(%arg0: i32) -> (i32, i32, i32) {
    %c0_i32 = arith.constant 0 : i32
    %c0_i32_0 = arith.constant 0 : i32
    %c0_i32_1 = arith.constant 0 : i32
    return %arg0, %c0_i32, %c0_i32_0 : i32, i32, i32
  }
  func.func @transform_1(%arg0: i32) -> (i32, i32, i32, i32) {
    %c0_i32 = arith.constant 0 : i32
    %c0_i32_0 = arith.constant 0 : i32
    %c0_i32_1 = arith.constant 0 : i32
    %c0_i32_2 = arith.constant 0 : i32
    return %arg0, %c0_i32, %c0_i32_0, %c0_i32_1 : i32, i32, i32, i32
  }
}

</mosaic_0001>

<sc_bundles>
// kernel: kernel.4.cloned.1.call-start
scs
__scs_entry_jumppad:
0x0: {  	(pc) =	sbr.rel $0x88, $3  }
0x1: {  	(tag) =	ssettag $0x0;
	lr =	simm.s32 $0x1  }
0x2: {  	[smem:$0x3FA0] =	sst lr;
	_ =	strace $0xD0000000  }
0x3: {  	_ = 	snop  }
0x4: {  	_ = 	snop  }
0x5: {  	_ = 	snop  }
0x6: {  	_ = 	snop  }
0x7: {  	_ = 	snop  }
__scs_overlays_trampoline_lowered:
0x8: {  	[smem:$0x3FAF] =	sst s0  }
0x9: {  	[smem:$0x3FB0] =	sst s1  }
0xa: {  	[smem:$0x3FB1] =	sst s2  }
0xb: {  	[smem:$0x3FB2] =	sst s3  }
0xc: {  	[smem:$0x3FB3] =	sst s4  }
0xd: {  	[smem:$0x3FB4] =	sst s5  }
0xe: {  	[smem:$0x3FB5] =	sst s6  }
0xf: {  	[smem:$0x3FB6] =	sst s7  }
0x10: {  	[smem:$0x3FB7] =	sst s8  }
0x11: {  	[smem:$0x3FB8] =	sst s9;
	s0 =	simm.s32 @!p0 $0x0  }
0x12: {  	s1 =	sld [smem:$0x3F9E];
	s0 =	simm.s32 @p0 $0x1  }
0x13: {  	[smem:$0x3FB9] =	sst s0;
	s0 =	simm.s32 @!p1 $0x0  }
0x14: {  	s2 =	sld [smem:$0x3F9D];
	s0 =	simm.s32 @p1 $0x1  }
0x15: {  	[smem:$0x3FBA] =	sst s0;
	s0 =	simm.s32 @!p2 $0x0  }
0x16: {  	s3 =	sld [smem:$0x3FDB];
	s0 =	simm.s32 @p2 $0x1  }
0x17: {  	s4 =	simm.s32 $0x1BF5;
	[smem:$0x3FBC] =	sst s0  }
0x18: {  	s0 =	sld [smem:$0x3F9F];
	_ =	swait.ge [sflag:s4], $0x0  }
0x19: {  	s7 =	sld [smem:$0x3FA0]  }
0x1a: {  	s8 =	sadd.s32 $0xFFFFE003, lr  }
0x1b: {  	s9 =	sadd.s32 $0xFFFFFEF7, lr;
	s5 =	simm.s32 $0xFFFFFFFF;
	p2 =	slt.u32 s8, $0xFFFFF086  }
0x1c: {  	p1 =	slt.u32 s9, $0xF7A;
	s5 =	simm.s32 @!p2 $0x0  }
0x1d: {  	s5 =	simm.s32 @p1 $0x1;
	p0 =	seq.s32 s7, s2  }
0x1e: {  	s7 =	smul.u32 @!p0 $0xF7A, s2;
	p2 =	seq.s32 @!p0 s5, $0x0  }
0x1f: {  	s9 =	smul.u32 $0xF7A, s1;
	s8 =	simm.s32 @!p0 $0x1BF5;
	p2 =	por !p2, p0  }
0x20: {  	[sflag:s8] =	ssyncset.s32 @!p0 $0xFFFFF086;
	s6 =	sadd.s32 @!p0 s3, s7;
	s7 =	simm.s32 @!p0 $0x108  }
0x21: {  	s3 =	sadd.s32 s3, s9;
	s6 =	sadd.s32 @!p0 $0x88, s6;
	s7 =	simm.s32 @p2 $0x1082  }
0x22: {  	[simem:s7], [sflag:s8] =	dma.local @!p0 [hbm:s6], $0xF7A  }
0x23: {  	s9 =	sor.u32 $0xD0000000, s2;
	s6 =	simm.s32 $0x108;
	_ =	swait.ge @!p0 [sflag:s8], $0x0  }
0x24: {  	s3 =	sadd.s32 $0x88, s3;
	s6 =	simm.s32 @!p1 $0x1082;
	[sflag:s4] =	ssyncset.s32 $0xFFFFF086  }
0x25: {  	[simem:s6], [sflag:s4] =	dma.local [hbm:s3], $0xF7A  }
0x26: {  	[smem:$0x3FA0] =	sst s1;
	(tag) =	ssettag s2;
	_ =	strace s9  }
0x27: {  	s1 =	sld [smem:$0x3FB0]  }
0x28: {  	s2 =	sld [smem:$0x3FB1]  }
0x29: {  	s4 =	sld [smem:$0x3FB3]  }
0x2a: {  	p0 =	seq.s32 s5, $0x0;
	s5 =	sld [smem:$0x3FB4]  }
0x2b: {  	s6 =	sld [smem:$0x3FB5]  }
0x2c: {  	s7 =	sld [smem:$0x3FB6]  }
0x2d: {  	s3 =	simm.s32 $0x108;
	s8 =	sld [smem:$0x3FB7]  }
0x2e: {  	s3 =	simm.s32 @!p0 $0x1082;
	s9 =	sld [smem:$0x3FB8]  }
0x2f: {  	lr =	sadd.s32 s0, s3;
	s0 =	sld [smem:$0x3FAF]  }
0x30: {  	s3 =	sld [smem:$0x3FB2]  }
0x31: {  	[smem:$0x3FBB] =	sst s10  }
0x32: {  	s10 =	sld [smem:$0x3FB9];
	_ =	sdelay $0x3  }
0x33: {  	p0 =	seq.s32 s10, $0x1;
	s10 =	sld [smem:$0x3FBB];
	_ =	sdelay $0x3  }
0x34: {  	[smem:$0x3FBB] =	sst s10  }
0x35: {  	s10 =	sld [smem:$0x3FBA];
	_ =	sdelay $0x3  }
0x36: {  	p1 =	seq.s32 s10, $0x1;
	s10 =	sld [smem:$0x3FBB];
	_ =	sdelay $0x3  }
0x37: {  	[smem:$0x3FBB] =	sst s10  }
0x38: {  	s10 =	sld [smem:$0x3FBC]  }
0x39: {  	_ = 	snop;
	(pc) =	sbr.ind lr, $3  }
0x3a: {  	_ = 	snop  }
0x3b: {  	_ = 	snop  }
0x3c: {  	p2 =	seq.s32 s10, $0x1;
	s10 =	sld [smem:$0x3FBB]  }
0x3d: {  	_ =	shalt  }
0x3e: {  	_ =	shalt  }
0x3f: {  	_ =	shalt  }
0x40: {  	_ =	shalt  }
0x41: {  	_ =	shalt  }
0x42: {  	_ =	shalt  }
0x43: {  	_ =	shalt  }
0x44: {  	_ =	shalt  }
0x45: {  	_ =	shalt  }
0x46: {  	_ =	shalt  }
0x47: {  	_ =	shalt  }
0x48: {  	_ =	shalt  }
0x49: {  	_ =	shalt  }
0x4a: {  	_ =	shalt  }
0x4b: {  	_ =	shalt  }
0x4c: {  	_ =	shalt  }
0x4d: {  	_ =	shalt  }
0x4e: {  	_ =	shalt  }
0x4f: {  	_ =	shalt  }
0x50: {  	_ =	shalt  }
0x51: {  	_ =	shalt  }
0x52: {  	_ =	shalt  }
0x53: {  	_ =	shalt  }
0x54: {  	_ =	shalt  }
0x55: {  	_ =	shalt  }
0x56: {  	_ =	shalt  }
0x57: {  	_ =	shalt  }
0x58: {  	_ =	shalt  }
0x59: {  	_ =	shalt  }
0x5a: {  	_ =	shalt  }
0x5b: {  	_ =	shalt  }
0x5c: {  	_ =	shalt  }
0x5d: {  	_ =	shalt  }
0x5e: {  	_ =	shalt  }
0x5f: {  	_ =	shalt  }
0x60: {  	_ =	shalt  }
0x61: {  	_ =	shalt  }
0x62: {  	_ =	shalt  }
0x63: {  	_ =	shalt  }
0x64: {  	_ =	shalt  }
0x65: {  	_ =	shalt  }
0x66: {  	_ =	shalt  }
0x67: {  	_ =	shalt  }
0x68: {  	_ =	shalt  }
0x69: {  	_ =	shalt  }
0x6a: {  	_ =	shalt  }
0x6b: {  	_ =	shalt  }
0x6c: {  	_ =	shalt  }
0x6d: {  	_ =	shalt  }
0x6e: {  	_ =	shalt  }
0x6f: {  	_ =	shalt  }
0x70: {  	_ =	shalt  }
0x71: {  	_ =	shalt  }
0x72: {  	_ =	shalt  }
0x73: {  	_ =	shalt  }
0x74: {  	_ =	shalt  }
0x75: {  	_ =	shalt  }
0x76: {  	_ =	shalt  }
0x77: {  	_ =	shalt  }
0x78: {  	_ =	shalt  }
0x79: {  	_ =	shalt  }
0x7a: {  	_ =	shalt  }
0x7b: {  	_ =	shalt  }
0x7c: {  	_ =	shalt  }
0x7d: {  	_ =	shalt  }
0x7e: {  	_ =	shalt  }
0x7f: {  	_ =	shalt  }
0x80: {  	_ =	shalt  }
0x81: {  	_ =	shalt  }
0x82: {  	_ =	shalt  }
0x83: {  	_ =	shalt  }
0x84: {  	_ =	shalt  }
0x85: {  	_ =	shalt  }
0x86: {  	_ =	shalt  }
0x87: {  	_ =	shalt  }
.Lfunc_end0:
.L_simem_size_0:
called_computation_lowered:
.L_overlay_start_0:
0x88: {  	s2 =	sld [smem:$0x3FD9]  }
0x89: {  	s3 =	sld [smem:$0x3FFE];
	_ =	sdelay $0x1  }
0x8a: {  	s1 =	srdreg.scid  }
0x8b: {  	s0 =	sand.u32 $0x1, s1  }
0x8c: {  	s14 =	sshll.u32 s0, $0xA;
	s2 =	sadd.s32 s3, s2  }
0x8d: {  	s2 =	sadd.s32 s2, s14  }
0x8e: {  	[smem:$0x3FC7] =	sst s2  }
0x8f: {  	_ = 	snop  }
0x90: {  	s2 =	sld [smem:$0x3FD0];
	_ =	sdelay $0x2  }
0x91: {  	s4 =	simm.s32 $0xA;
	s5 =	simm.s32 $0x10;
	s15 =	sld [smem:$0x3FC9]  }
0x92: {  	[smem:s5], [sflag:s4] =	dma.local [hbm:s2], $0x1  }
0x93: {  	_ =	swait.eq [sflag:s4], $0x1  }
0x94: {  	[sflag:s4] =	ssyncset.done $0x0  }
0x95: {  	[sflag:s4] =	ssyncadd.s32 $0xFFFFFFFF  }
0x96: {  	s16 =	sld [smem:$0x10];
	(tm) =	ssettm $0x1  }
0x97: {  	s17 =	sld [smem:$0x3FFB];
	_ =	sdelay $0x3  }
0x98: {  	_ =	strace s17  }
0x99: {  	s4 =	sld [smem:$0x3FFC];
	_ =	sdelay $0x3  }
0x9a: {  	_ =	strace s4  }
0x9b: {  	s4 =	sld [smem:$0x3FFD];
	_ =	sdelay $0x3  }
0x9c: {  	_ =	strace s4  }
0x9d: {  	_ =	strace $0x8FFFFFFF  }
0x9e: {  	s18 =	sld [smem:$0x3FDB];
	_ =	sdelay $0x1  }
0x9f: {  	s19 =	simm.s32 $_scs_section_size  }
0xa0: {  	s6 =	simm.s32 $_size__tile_overlayer_lowered;
	s7 =	simm.s32 $_tile_overlayer_lowered  }
0xa1: {  	s22 =	simm.s32 $0x1BFF;
	s21 =	sshll.u32 s7, $0x1;
	s4 =	sadd.s32 s19, s18  }
0xa2: {  	s8 =	simm.s32 $0x0;
	s20 =	sshll.u32 s6, $0x1;
	s6 =	sadd.s32 s21, s4  }
0xa3: {  	[timem:s8], [sflag:s22] =	dma.local [hbm:s6], s20  }
0xa4: {  	_ =	swait.ge [sflag:s22], s20  }
0xa5: {  	s5 =	ssub.s32 $0x0, s20;
	[sflag:s22] =	ssyncset.done $0x0  }
0xa6: {  	[sflag:s22] =	ssyncadd.s32 s5;
	_ =	sdelay $0x1  }
0xa7: {  	s23 =	simm.s32 $0x1B8B  }
0xa8: {  	_ =	swait.ge [sflag:s23], $0x1  }
0xa9: {  	[sflag:s23] =	ssyncset.done $0x0  }
0xaa: {  	s25 =	simm.s32 $0x1B8E;
	s24 =	sld [smem:$0x3FFE];
	[sflag:s23] =	ssyncadd.s32 $0xFFFFFFFF  }
0xab: {  	s26 =	simm.s32 $execute0_lowered;
	[smem:$0x3FD2] =	sst s25  }
0xac: {  	s6 =	sshll.u32 s26, $0x1;
	_ =	strace $0x80000046;
	[dreg:$0x1] =	wrdreg $0xFFFFFFFF  }
0xad: {  	s28 =	simm.s32 $_size_execute0_lowered;
	s4 =	sadd.s32 s4, s6;
	[dreg:$0x0] =	wrdreg $0x0  }
0xae: {  	s6 =	sshll.u32 s28, $0x1;
	[dreg:$0x2] =	wrdreg s4  }
0xaf: {  	[dreg:$0x3] =	wrdreg s6  }
0xb0: {  	[dreg:$0x4] =	wrdreg $0xC0  }
0xb1: {  	_ =	task [dreg:s8], $0x5FFFF  }
0xb2: {  	[dreg:$0x1] =	wrdreg $0xFFFFFFFF  }
0xb3: {  	[dreg:$0x0] =	wrdreg $0x60  }
0xb4: {  	[dreg:$0x2] =	wrdreg s15  }
0xb5: {  	[dreg:$0x3] =	wrdreg s24  }
0xb6: {  	[dreg:$0x4] =	wrdreg s16  }
0xb7: {  	[dreg:$0x5] =	wrdreg $0x9  }
0xb8: {  	_ =	task.clear_ibuf [dreg:s8], $0x6FFFF;
	_ =	strace $0x90000046  }
0xb9: {  	s29 =	simm.s32 $0x9;
	_ =	strace $0x80000048  }
0xba: {  	_ =	swait.ge [sflag:s29], $0x1  }
0xbb: {  	[sflag:s29] =	ssyncadd.s32 $0xFFFFFFFF  }
0xbc: {  	_ =	strace $0x90000048  }
0xbd: {  	_ =	sfence  }
0xbe: {  	s30 =	sld [smem:$0x0];
	_ =	sdelay $0x2  }
0xbf: {  	s31 =	sshll.u32 s1, $0xD;
	s1 =	sshrl.u32 s1, $0x2  }
0xc0: {  	s3 =	sand.u32 $0x4000, s31;
	s1 =	sadd.s32 s1, s30  }
0xc1: {  	s0 =	sor.u32 s3, s0;
	s1 =	sshll.u32 s1, $0x11  }
0xc2: {  	s0 =	sor.u32 s1, s0  }
0xc3: {  	s0 =	sadd.s32 $0x8F2B, s0  }
0xc4: {  	[sflag:s0] =	ssyncadd.remote.s32 $0x1  }
0xc5: {  	_ =	sfence.sel $0xFFFF  }
0xc6: {  	[dreg:$0x0] =	wrdreg $0xFFFFFFFF;
	(pc) =	sbr.abs _section_cstart, $3  }
0xc7: {  	[dreg:$0x1] =	wrdreg $0xFFFFFFFF  }
0xc8: {  	_ =	task.clear_ibuf [dreg:s8], $0x2FFFF;
	_ =	strace $0x9FFFFFFF  }
0xc9: {  	(tm) =	ssettm $0x7FFFFFFF  }
tec
execute0_lowered:
.L_overlay_start_1:
0x0: {  	(tag) =	ssettag $0x1  }
0x1: {  	s0 =	srdreg.scid  }
0x2: {  	s3 =	rddreg [dreg:$0x0];
	s2 =	stileid.u32;
	s0 =	sand.u32 $0x1, s0  }
0x3: {  	s1 =	rddreg [dreg:$0x1];
	s2 =	sshll.u32 s2, $0xC;
	s4 =	sshll.u32 s0, $0xB  }
0x4: {  	s5 =	rddreg [dreg:$0x2];
	s4 =	sor.u32 s4, s2;
	s2 =	simm.s32 $0x0  }
0x5: {  	s18 =	simm.s32 $0x100;
	[smem:$0x7FF] =	sst s2  }
0x6: {  	s19 =	simm.s32 $0x180;
	_ =	strace $0x80000047;
	[dreg:$0x14] =	wrdreg s18  }
0x7: {  	s20 =	simm.s32 $0x200;
	[dreg:$0x15] =	wrdreg s19  }
0x8: {  	s21 =	simm.s32 $0x280;
	s22 =	simm.s32 $0x300;
	[dreg:$0x16] =	wrdreg s20  }
0x9: {  	s23 =	simm.s32 $0x380;
	s6 =	sshrl.u32 s4, $0x3;
	[dreg:$0x17] =	wrdreg s21  }
0xa: {  	s4 =	sshll.u32 s4, $0x4;
	s1 =	sadd.s32 s6, s1;
	[dreg:$0x18] =	wrdreg s22  }
0xb: {  	s25 =	sadd.s32 s5, s4;
	[dreg:$0x19] =	wrdreg s23;
	s1 =	sadd.s32 $0x600, s1  }
0xc: {  	s31 =	simm.s32 $0xD;
	s24 =	sadd.s32 $0x800, s25;
	[dreg:$0x4] =	wrdreg s1  }
0xd: {  	p0 =	por $0x0, $0x0;
	s26 =	sadd.s32 $0x1000, s25;
	[dreg:$0x5] =	wrdreg s24  }
0xe: {  	s30 =	simm.s32 $0x580;
	s4 =	sadd.s32 $0x1800, s25;
	[dreg:$0x6] =	wrdreg s26  }
0xf: {  	s29 =	simm.s32 $0x600;
	s5 =	sadd.s32 $0x2000, s25;
	[dreg:$0x7] =	wrdreg s4  }
0x10: {  	s28 =	simm.s32 $0x680;
	s6 =	sadd.s32 $0x2800, s25;
	[dreg:$0x8] =	wrdreg s5  }
0x11: {  	s0 =	ssub.s32 $0x2, s0;
	s7 =	sadd.s32 $0x3000, s25;
	[dreg:$0x9] =	wrdreg s6  }
0x12: {  	s15 =	sshrl.u32 s0, $0x1;
	s8 =	sadd.s32 $0x3800, s25;
	[dreg:$0xa] =	wrdreg s7  }
0x13: {  	s0 =	ssub.s32 s0, s15;
	s9 =	sadd.s32 $0x4000, s25;
	[dreg:$0xb] =	wrdreg s8  }
0x14: {  	s15 =	simm.s32 $0x80;
	s10 =	sadd.s32 $0x4800, s25;
	[dreg:$0xc] =	wrdreg s9  }
0x15: {  	s0 =	smax.u32 s0, $0x1;
	s11 =	sadd.s32 $0x5000, s25;
	[dreg:$0xd] =	wrdreg s10  }
0x16: {  	s18 =	simm.s32 $0x10800;
	s12 =	sadd.s32 $0x5800, s25;
	[dreg:$0xe] =	wrdreg s11  }
0x17: {  	s22 =	simm.s32 $0x5;
	s13 =	sadd.s32 $0x6000, s25;
	[dreg:$0xf] =	wrdreg s12  }
0x18: {  	s21 =	simm.s32 $0x6;
	s14 =	sadd.s32 $0x6800, s25;
	[dreg:$0x10] =	wrdreg s13  }
0x19: {  	s20 =	simm.s32 $0xB;
	s16 =	sadd.s32 $0x7000, s25;
	[dreg:$0x11] =	wrdreg s14  }
0x1a: {  	s19 =	simm.s32 $0xC;
	s17 =	sadd.s32 $0x7800, s25;
	[dreg:$0x12] =	wrdreg s16  }
0x1b: {  	p1 =	sne.s32 s0, $0x1;
	s23 =	sadd.s32 $0xFFFFFFFF, s0;
	[dreg:$0x13] =	wrdreg s17  }
0x1c: {  	s9 =	simm.s32 $0x800;
	s6 =	simm.s32 $0x4800;
	s5 =	simm.s32 $0x8800  }
0x1d: {  	s4 =	simm.s32 $0xC800;
	s16 =	simm.s32 $0x1;
	s17 =	simm.s32 $0x14800  }
.Ltmp0:
0x1e: {  	s14 =	simm.s32 $0x2;
	s13 =	simm.s32 $0x7;
	(pc) =	sbr.rel @!p1 .LBB2_1-.Ltmp0, $4  }
0x1f: {  	s12 =	simm.s32 $0x3;
	s11 =	simm.s32 $0x8;
	s24 =	simm.s32 $0x400  }
0x20: {  	s10 =	simm.s32 $0x4;
	s26 =	simm.s32 $0x480;
	[dreg:$0x1a] =	wrdreg s24  }
0x21: {  	s7 =	simm.s32 $0x9;
	s8 =	simm.s32 $0xA;
	[dreg:$0x1b] =	wrdreg s26  }
0x22: {  	s26 =	simm.s32 $0x700;
	s24 =	simm.s32 $0x780;
	s0 =	rddreg [dreg:$0x4]  }
0x23: {  	[tilespmem:s2], [sflag:$0xD] =	stream.linear.gather [hbm4b:s0+s2], $0x800, $0x38;
	[tilespmem:$0x18800] =	vst v63  }
0x24: {  	_ =	swait.ge [sflag:s31], $0x800  }
0x25: {  	[sflag:s31] =	ssyncset.done $0x0  }
0x26: {  	[sflag:s31] =	ssyncadd.s32 $0xFFFFF800  }
0x27: {  	[tilespmem:s9], [sflag:$0x1] =	stream.indirect.gather [hbm4b:s3+s15], $0x80, s2, s15, $0xb8;
	[tilespmem:$0x18800] =	vst v63  }
0x28: {  	_ = 	snop  }
0x29: {  	[tilespmem:s6], [sflag:$0x2] =	stream.indirect.gather [hbm4b:s3+s15], $0x80, s15, s15, $0xb8;
	[tilespmem:$0x18800] =	vst v63  }
0x2a: {  	s0 =	rddreg [dreg:$0x14]  }
0x2b: {  	[tilespmem:s5], [sflag:$0x3] =	stream.indirect.gather [hbm4b:s3+s15], $0x80, s0, s15, $0xb8;
	[tilespmem:$0x18800] =	vst v63  }
0x2c: {  	s1 =	rddreg [dreg:$0x15]  }
0x2d: {  	[tilespmem:s4], [sflag:$0x4] =	stream.indirect.gather [hbm4b:s3+s15], $0x80, s1, s15, $0xb8;
	[tilespmem:$0x18800] =	vst v63  }
0x2e: {  	s0 =	rddreg [dreg:$0x16]  }
0x2f: {  	[tilespmem:s18], [sflag:$0x5] =	stream.indirect.gather [hbm4b:s3+s15], $0x80, s0, s15, $0xb8;
	[tilespmem:$0x18800] =	vst v63  }
0x30: {  	_ =	swait.ge [sflag:s16], $0x4000  }
0x31: {  	[sflag:s16] =	ssyncset.done $0x0  }
0x32: {  	[sflag:s16] =	ssyncadd.s32 $0xFFFFC000  }
0x33: {  	[hbm4b:s25+s2] =	stream.linear.scatter [tilespmem:s9], [sflag:$0x7], $0x4000, $0x38;
	[tilespmem:$0x18800] =	vst v63  }
0x34: {  	s1 =	rddreg [dreg:$0x17]  }
0x35: {  	[tilespmem:s17], [sflag:$0x6] =	stream.indirect.gather [hbm4b:s3+s15], $0x80, s1, s15, $0xb8;
	[tilespmem:$0x18800] =	vst v63  }
0x36: {  	_ =	swait.ge [sflag:s14], $0x4000  }
0x37: {  	[sflag:s14] =	ssyncset.done $0x0  }
0x38: {  	s1 =	rddreg [dreg:$0x5];
	[sflag:s14] =	ssyncadd.s32 $0xFFFFC000  }
0x39: {  	[hbm4b:s1+s2] =	stream.linear.scatter [tilespmem:s6], [sflag:$0x8], $0x4000, $0x38;
	[tilespmem:$0x18800] =	vst v63  }
0x3a: {  	_ =	swait.ge [sflag:s13], $0x4000  }
0x3b: {  	[sflag:s13] =	ssyncset.done $0x0  }
0x3c: {  	s1 =	rddreg [dreg:$0x18];
	[sflag:s13] =	ssyncadd.s32 $0xFFFFC000  }
0x3d: {  	[tilespmem:s9], [sflag:$0x1] =	stream.indirect.gather [hbm4b:s3+s15], $0x80, s1, s15, $0xb8;
	[tilespmem:$0x18800] =	vst v63  }
0x3e: {  	_ =	swait.ge [sflag:s12], $0x4000  }
0x3f: {  	[sflag:s12] =	ssyncset.done $0x0  }
0x40: {  	s1 =	rddreg [dreg:$0x6];
	[sflag:s12] =	ssyncadd.s32 $0xFFFFC000  }
0x41: {  	[hbm4b:s1+s2] =	stream.linear.scatter [tilespmem:s5], [sflag:$0x9], $0x4000, $0x38;
	[tilespmem:$0x18800] =	vst v63  }
0x42: {  	_ =	swait.ge [sflag:s11], $0x4000  }
0x43: {  	[sflag:s11] =	ssyncset.done $0x0  }
0x44: {  	s1 =	rddreg [dreg:$0x19];
	[sflag:s11] =	ssyncadd.s32 $0xFFFFC000  }
0x45: {  	[tilespmem:s6], [sflag:$0x2] =	stream.indirect.gather [hbm4b:s3+s15], $0x80, s1, s15, $0xb8;
	[tilespmem:$0x18800] =	vst v63  }
0x46: {  	_ =	swait.ge [sflag:s10], $0x4000  }
0x47: {  	[sflag:s10] =	ssyncset.done $0x0  }
0x48: {  	s1 =	rddreg [dreg:$0x7];
	[sflag:s10] =	ssyncadd.s32 $0xFFFFC000  }
0x49: {  	[hbm4b:s1+s2] =	stream.linear.scatter [tilespmem:s4], [sflag:$0xA], $0x4000, $0x38;
	[tilespmem:$0x18800] =	vst v63  }
0x4a: {  	_ =	swait.ge [sflag:s7], $0x4000  }
0x4b: {  	[sflag:s7] =	ssyncset.done $0x0  }
0x4c: {  	s1 =	rddreg [dreg:$0x1a];
	[sflag:s7] =	ssyncadd.s32 $0xFFFFC000  }
0x4d: {  	[tilespmem:s5], [sflag:$0x3] =	stream.indirect.gather [hbm4b:s3+s15], $0x80, s1, s15, $0xb8;
	[tilespmem:$0x18800] =	vst v63  }
0x4e: {  	_ =	swait.ge [sflag:s22], $0x4000  }
0x4f: {  	[sflag:s22] =	ssyncset.done $0x0  }
0x50: {  	s1 =	rddreg [dreg:$0x8];
	[sflag:s22] =	ssyncadd.s32 $0xFFFFC000  }
0x51: {  	[hbm4b:s1+s2] =	stream.linear.scatter [tilespmem:s18], [sflag:$0xB], $0x4000, $0x38;
	[tilespmem:$0x18800] =	vst v63  }
0x52: {  	_ =	swait.ge [sflag:s8], $0x4000  }
0x53: {  	[sflag:s8] =	ssyncset.done $0x0  }
0x54: {  	s1 =	rddreg [dreg:$0x1b];
	[sflag:s8] =	ssyncadd.s32 $0xFFFFC000  }
0x55: {  	[tilespmem:s4], [sflag:$0x4] =	stream.indirect.gather [hbm4b:s3+s15], $0x80, s1, s15, $0xb8;
	[tilespmem:$0x18800] =	vst v63  }
0x56: {  	_ =	swait.ge [sflag:s21], $0x4000  }
0x57: {  	[sflag:s21] =	ssyncset.done $0x0  }
0x58: {  	s1 =	rddreg [dreg:$0x9];
	[sflag:s21] =	ssyncadd.s32 $0xFFFFC000  }
0x59: {  	[hbm4b:s1+s2] =	stream.linear.scatter [tilespmem:s17], [sflag:$0xC], $0x4000, $0x38;
	[tilespmem:$0x18800] =	vst v63  }
0x5a: {  	_ =	swait.ge [sflag:s20], $0x4000  }
0x5b: {  	[sflag:s20] =	ssyncset.done $0x0  }
0x5c: {  	s1 =	simm.s32 $0x500;
	[sflag:s20] =	ssyncadd.s32 $0xFFFFC000  }
0x5d: {  	[tilespmem:s18], [sflag:$0x5] =	stream.indirect.gather [hbm4b:s3+s15], $0x80, s1, s15, $0xb8;
	[tilespmem:$0x18800] =	vst v63  }
0x5e: {  	_ =	swait.ge [sflag:s16], $0x4000  }
0x5f: {  	[sflag:s16] =	ssyncset.done $0x0  }
0x60: {  	s1 =	rddreg [dreg:$0xa];
	[sflag:s16] =	ssyncadd.s32 $0xFFFFC000  }
0x61: {  	[hbm4b:s1+s2] =	stream.linear.scatter [tilespmem:s9], [sflag:$0x7], $0x4000, $0x38;
	[tilespmem:$0x18800] =	vst v63  }
0x62: {  	_ =	swait.ge [sflag:s19], $0x4000  }
0x63: {  	[sflag:s19] =	ssyncset.done $0x0  }
0x64: {  	[sflag:s19] =	ssyncadd.s32 $0xFFFFC000  }
0x65: {  	[tilespmem:s17], [sflag:$0x6] =	stream.indirect.gather [hbm4b:s3+s15], $0x80, s30, s15, $0xb8;
	[tilespmem:$0x18800] =	vst v63  }
0x66: {  	_ =	swait.ge [sflag:s14], $0x4000  }
0x67: {  	[sflag:s14] =	ssyncset.done $0x0  }
0x68: {  	s1 =	rddreg [dreg:$0xb];
	[sflag:s14] =	ssyncadd.s32 $0xFFFFC000  }
0x69: {  	[hbm4b:s1+s2] =	stream.linear.scatter [tilespmem:s6], [sflag:$0x8], $0x4000, $0x38;
	[tilespmem:$0x18800] =	vst v63  }
0x6a: {  	_ =	swait.ge [sflag:s13], $0x4000  }
0x6b: {  	[sflag:s13] =	ssyncset.done $0x0  }
0x6c: {  	[sflag:s13] =	ssyncadd.s32 $0xFFFFC000  }
0x6d: {  	[tilespmem:s9], [sflag:$0x1] =	stream.indirect.gather [hbm4b:s3+s15], $0x80, s29, s15, $0xb8;
	[tilespmem:$0x18800] =	vst v63  }
0x6e: {  	_ =	swait.ge [sflag:s12], $0x4000  }
0x6f: {  	[sflag:s12] =	ssyncset.done $0x0  }
0x70: {  	s1 =	rddreg [dreg:$0xc];
	[sflag:s12] =	ssyncadd.s32 $0xFFFFC000  }
0x71: {  	[hbm4b:s1+s2] =	stream.linear.scatter [tilespmem:s5], [sflag:$0x9], $0x4000, $0x38;
	[tilespmem:$0x18800] =	vst v63  }
0x72: {  	_ =	swait.ge [sflag:s11], $0x4000  }
0x73: {  	[sflag:s11] =	ssyncset.done $0x0  }
0x74: {  	[sflag:s11] =	ssyncadd.s32 $0xFFFFC000  }
0x75: {  	[tilespmem:s6], [sflag:$0x2] =	stream.indirect.gather [hbm4b:s3+s15], $0x80, s28, s15, $0xb8;
	[tilespmem:$0x18800] =	vst v63  }
0x76: {  	_ =	swait.ge [sflag:s10], $0x4000  }
0x77: {  	[sflag:s10] =	ssyncset.done $0x0  }
0x78: {  	s1 =	rddreg [dreg:$0xd];
	[sflag:s10] =	ssyncadd.s32 $0xFFFFC000  }
0x79: {  	[hbm4b:s1+s2] =	stream.linear.scatter [tilespmem:s4], [sflag:$0xA], $0x4000, $0x38;
	[tilespmem:$0x18800] =	vst v63  }
0x7a: {  	_ =	swait.ge [sflag:s7], $0x4000  }
0x7b: {  	[sflag:s7] =	ssyncset.done $0x0  }
0x7c: {  	[sflag:s7] =	ssyncadd.s32 $0xFFFFC000  }
0x7d: {  	[tilespmem:s5], [sflag:$0x3] =	stream.indirect.gather [hbm4b:s3+s15], $0x80, s26, s15, $0xb8;
	[tilespmem:$0x18800] =	vst v63  }
0x7e: {  	_ =	swait.ge [sflag:s22], $0x4000  }
0x7f: {  	[sflag:s22] =	ssyncset.done $0x0  }
0x80: {  	s1 =	rddreg [dreg:$0xe];
	[sflag:s22] =	ssyncadd.s32 $0xFFFFC000  }
0x81: {  	[hbm4b:s1+s2] =	stream.linear.scatter [tilespmem:s18], [sflag:$0xB], $0x4000, $0x38;
	[tilespmem:$0x18800] =	vst v63  }
0x82: {  	_ =	swait.ge [sflag:s8], $0x4000  }
0x83: {  	[sflag:s8] =	ssyncset.done $0x0  }
0x84: {  	[sflag:s8] =	ssyncadd.s32 $0xFFFFC000  }
0x85: {  	[tilespmem:s4], [sflag:$0x4] =	stream.indirect.gather [hbm4b:s3+s15], $0x80, s24, s15, $0xb8;
	[tilespmem:$0x18800] =	vst v63  }
0x86: {  	_ =	swait.ge [sflag:s21], $0x4000  }
0x87: {  	[sflag:s21] =	ssyncset.done $0x0  }
0x88: {  	s1 =	rddreg [dreg:$0xf];
	[sflag:s21] =	ssyncadd.s32 $0xFFFFC000  }
0x89: {  	[hbm4b:s1+s2] =	stream.linear.scatter [tilespmem:s17], [sflag:$0xC], $0x4000, $0x38;
	[tilespmem:$0x18800] =	vst v63  }
0x8a: {  	_ =	swait.ge [sflag:s20], $0x4000  }
0x8b: {  	[sflag:s20] =	ssyncset.done $0x0  }
0x8c: {  	[sflag:s20] =	ssyncadd.s32 $0xFFFFC000  }
0x8d: {  	_ =	swait.ge [sflag:s16], $0x4000  }
0x8e: {  	[sflag:s16] =	ssyncset.done $0x0  }
0x8f: {  	s1 =	rddreg [dreg:$0x10];
	[sflag:s16] =	ssyncadd.s32 $0xFFFFC000  }
0x90: {  	[hbm4b:s1+s2] =	stream.linear.scatter [tilespmem:s9], [sflag:$0x7], $0x4000, $0x38;
	[tilespmem:$0x18800] =	vst v63  }
0x91: {  	_ =	swait.ge [sflag:s19], $0x4000  }
0x92: {  	[sflag:s19] =	ssyncset.done $0x0  }
0x93: {  	[sflag:s19] =	ssyncadd.s32 $0xFFFFC000  }
0x94: {  	_ =	swait.ge [sflag:s14], $0x4000  }
0x95: {  	[sflag:s14] =	ssyncset.done $0x0  }
0x96: {  	s1 =	rddreg [dreg:$0x11];
	[sflag:s14] =	ssyncadd.s32 $0xFFFFC000  }
0x97: {  	[hbm4b:s1+s2] =	stream.linear.scatter [tilespmem:s6], [sflag:$0x8], $0x4000, $0x38;
	[tilespmem:$0x18800] =	vst v63  }
0x98: {  	_ =	swait.ge [sflag:s13], $0x4000  }
0x99: {  	[sflag:s13] =	ssyncset.done $0x0  }
0x9a: {  	[sflag:s13] =	ssyncadd.s32 $0xFFFFC000  }
0x9b: {  	_ =	swait.ge [sflag:s12], $0x4000  }
0x9c: {  	[sflag:s12] =	ssyncset.done $0x0  }
0x9d: {  	s1 =	rddreg [dreg:$0x12];
	[sflag:s12] =	ssyncadd.s32 $0xFFFFC000  }
0x9e: {  	[hbm4b:s1+s2] =	stream.linear.scatter [tilespmem:s5], [sflag:$0x9], $0x4000, $0x38;
	[tilespmem:$0x18800] =	vst v63  }
0x9f: {  	_ =	swait.ge [sflag:s11], $0x4000  }
0xa0: {  	[sflag:s11] =	ssyncset.done $0x0  }
0xa1: {  	[sflag:s11] =	ssyncadd.s32 $0xFFFFC000  }
0xa2: {  	_ =	swait.ge [sflag:s10], $0x4000  }
0xa3: {  	[sflag:s10] =	ssyncset.done $0x0  }
0xa4: {  	p1 =	sne.s32 s23, $0x1;
	s1 =	rddreg [dreg:$0x13];
	[sflag:s10] =	ssyncadd.s32 $0xFFFFC000  }
0xa5: {  	[hbm4b:s1+s2] =	stream.linear.scatter [tilespmem:s4], [sflag:$0xA], $0x4000, $0x38;
	[tilespmem:$0x18800] =	vst v63  }
.Ltmp1:
0xa6: {  	_ =	swait.ge [sflag:s7], $0x4000;
	(pc) =	sbr.rel @!p1 .LBB2_3-.Ltmp1, $4  }
0xa7: {  	[sflag:s7] =	ssyncset.done $0x0  }
0xa8: {  	[sflag:s7] =	ssyncadd.s32 $0xFFFFC000  }
0xa9: {  	p0 =	por $0x1, $0x1;
	_ =	swait.ge [sflag:s8], $0x4000  }
0xaa: {  	s1 =	sadd.s32 $0xFFFFFFFF, s23;
	s0 =	rddreg [dreg:$0x4];
	[sflag:s8] =	ssyncset.done $0x0  }
.LBB2_4:
0xab: {  	[sflag:s8] =	ssyncadd.s32 $0xFFFFC000  }
0xac: {  	[tilespmem:s2], [sflag:$0xD] =	stream.linear.gather [hbm4b:s0+s2], $0x800, $0x38;
	[tilespmem:$0x18800] =	vst v63  }
0xad: {  	_ =	swait.ge [sflag:s31], $0x800  }
0xae: {  	[sflag:s31] =	ssyncset.done $0x0  }
0xaf: {  	[sflag:s31] =	ssyncadd.s32 $0xFFFFF800  }
0xb0: {  	[tilespmem:s9], [sflag:$0x1] =	stream.indirect.gather [hbm4b:s3+s15], $0x80, s2, s15, $0xb8;
	[tilespmem:$0x18800] =	vst v63  }
0xb1: {  	_ = 	snop  }
0xb2: {  	[tilespmem:s6], [sflag:$0x2] =	stream.indirect.gather [hbm4b:s3+s15], $0x80, s15, s15, $0xb8;
	[tilespmem:$0x18800] =	vst v63  }
0xb3: {  	s0 =	rddreg [dreg:$0x14]  }
0xb4: {  	[tilespmem:s5], [sflag:$0x3] =	stream.indirect.gather [hbm4b:s3+s15], $0x80, s0, s15, $0xb8;
	[tilespmem:$0x18800] =	vst v63  }
0xb5: {  	s23 =	rddreg [dreg:$0x15]  }
0xb6: {  	[tilespmem:s4], [sflag:$0x4] =	stream.indirect.gather [hbm4b:s3+s15], $0x80, s23, s15, $0xb8;
	[tilespmem:$0x18800] =	vst v63  }
0xb7: {  	s0 =	rddreg [dreg:$0x16]  }
0xb8: {  	[tilespmem:s18], [sflag:$0x5] =	stream.indirect.gather [hbm4b:s3+s15], $0x80, s0, s15, $0xb8;
	[tilespmem:$0x18800] =	vst v63  }
0xb9: {  	_ =	swait.ge [sflag:s16], $0x4000  }
0xba: {  	[sflag:s16] =	ssyncset.done $0x0  }
0xbb: {  	[sflag:s16] =	ssyncadd.s32 $0xFFFFC000  }
0xbc: {  	[hbm4b:s25+s2] =	stream.linear.scatter [tilespmem:s9], [sflag:$0x7], $0x4000, $0x38;
	[tilespmem:$0x18800] =	vst v63  }
0xbd: {  	s23 =	rddreg [dreg:$0x17]  }
0xbe: {  	[tilespmem:s17], [sflag:$0x6] =	stream.indirect.gather [hbm4b:s3+s15], $0x80, s23, s15, $0xb8;
	[tilespmem:$0x18800] =	vst v63  }
0xbf: {  	_ =	swait.ge [sflag:s14], $0x4000  }
0xc0: {  	[sflag:s14] =	ssyncset.done $0x0  }
0xc1: {  	s23 =	rddreg [dreg:$0x5];
	[sflag:s14] =	ssyncadd.s32 $0xFFFFC000  }
0xc2: {  	[hbm4b:s23+s2] =	stream.linear.scatter [tilespmem:s6], [sflag:$0x8], $0x4000, $0x38;
	[tilespmem:$0x18800] =	vst v63  }
0xc3: {  	_ =	swait.ge [sflag:s13], $0x4000  }
0xc4: {  	[sflag:s13] =	ssyncset.done $0x0  }
0xc5: {  	s23 =	rddreg [dreg:$0x18];
	[sflag:s13] =	ssyncadd.s32 $0xFFFFC000  }
0xc6: {  	[tilespmem:s9], [sflag:$0x1] =	stream.indirect.gather [hbm4b:s3+s15], $0x80, s23, s15, $0xb8;
	[tilespmem:$0x18800] =	vst v63  }
0xc7: {  	_ =	swait.ge [sflag:s12], $0x4000  }
0xc8: {  	[sflag:s12] =	ssyncset.done $0x0  }
0xc9: {  	s23 =	rddreg [dreg:$0x6];
	[sflag:s12] =	ssyncadd.s32 $0xFFFFC000  }
0xca: {  	[hbm4b:s23+s2] =	stream.linear.scatter [tilespmem:s5], [sflag:$0x9], $0x4000, $0x38;
	[tilespmem:$0x18800] =	vst v63  }
0xcb: {  	_ =	swait.ge [sflag:s11], $0x4000  }
0xcc: {  	[sflag:s11] =	ssyncset.done $0x0  }
0xcd: {  	s23 =	rddreg [dreg:$0x19];
	[sflag:s11] =	ssyncadd.s32 $0xFFFFC000  }
0xce: {  	[tilespmem:s6], [sflag:$0x2] =	stream.indirect.gather [hbm4b:s3+s15], $0x80, s23, s15, $0xb8;
	[tilespmem:$0x18800] =	vst v63  }
0xcf: {  	_ =	swait.ge [sflag:s10], $0x4000  }
0xd0: {  	[sflag:s10] =	ssyncset.done $0x0  }
0xd1: {  	s23 =	rddreg [dreg:$0x7];
	[sflag:s10] =	ssyncadd.s32 $0xFFFFC000  }
0xd2: {  	[hbm4b:s23+s2] =	stream.linear.scatter [tilespmem:s4], [sflag:$0xA], $0x4000, $0x38;
	[tilespmem:$0x18800] =	vst v63  }
0xd3: {  	_ =	swait.ge [sflag:s7], $0x4000  }
0xd4: {  	[sflag:s7] =	ssyncset.done $0x0  }
0xd5: {  	s23 =	rddreg [dreg:$0x1a];
	[sflag:s7] =	ssyncadd.s32 $0xFFFFC000  }
0xd6: {  	[tilespmem:s5], [sflag:$0x3] =	stream.indirect.gather [hbm4b:s3+s15], $0x80, s23, s15, $0xb8;
	[tilespmem:$0x18800] =	vst v63  }
0xd7: {  	_ =	swait.ge [sflag:s22], $0x4000  }
0xd8: {  	[sflag:s22] =	ssyncset.done $0x0  }
0xd9: {  	s23 =	rddreg [dreg:$0x8];
	[sflag:s22] =	ssyncadd.s32 $0xFFFFC000  }
0xda: {  	[hbm4b:s23+s2] =	stream.linear.scatter [tilespmem:s18], [sflag:$0xB], $0x4000, $0x38;
	[tilespmem:$0x18800] =	vst v63  }
0xdb: {  	_ =	swait.ge [sflag:s8], $0x4000  }
0xdc: {  	[sflag:s8] =	ssyncset.done $0x0  }
0xdd: {  	s23 =	rddreg [dreg:$0x1b];
	[sflag:s8] =	ssyncadd.s32 $0xFFFFC000  }
0xde: {  	[tilespmem:s4], [sflag:$0x4] =	stream.indirect.gather [hbm4b:s3+s15], $0x80, s23, s15, $0xb8;
	[tilespmem:$0x18800] =	vst v63  }
0xdf: {  	_ =	swait.ge [sflag:s21], $0x4000  }
0xe0: {  	[sflag:s21] =	ssyncset.done $0x0  }
0xe1: {  	s23 =	rddreg [dreg:$0x9];
	[sflag:s21] =	ssyncadd.s32 $0xFFFFC000  }
0xe2: {  	[hbm4b:s23+s2] =	stream.linear.scatter [tilespmem:s17], [sflag:$0xC], $0x4000, $0x38;
	[tilespmem:$0x18800] =	vst v63  }
0xe3: {  	_ =	swait.ge [sflag:s20], $0x4000  }
0xe4: {  	[sflag:s20] =	ssyncset.done $0x0  }
0xe5: {  	s23 =	simm.s32 $0x500;
	[sflag:s20] =	ssyncadd.s32 $0xFFFFC000  }
0xe6: {  	[tilespmem:s18], [sflag:$0x5] =	stream.indirect.gather [hbm4b:s3+s15], $0x80, s23, s15, $0xb8;
	[tilespmem:$0x18800] =	vst v63  }
0xe7: {  	_ =	swait.ge [sflag:s16], $0x4000  }
0xe8: {  	[sflag:s16] =	ssyncset.done $0x0  }
0xe9: {  	s23 =	rddreg [dreg:$0xa];
	[sflag:s16] =	ssyncadd.s32 $0xFFFFC000  }
0xea: {  	[hbm4b:s23+s2] =	stream.linear.scatter [tilespmem:s9], [sflag:$0x7], $0x4000, $0x38;
	[tilespmem:$0x18800] =	vst v63  }
0xeb: {  	_ =	swait.ge [sflag:s19], $0x4000  }
0xec: {  	[sflag:s19] =	ssyncset.done $0x0  }
0xed: {  	[sflag:s19] =	ssyncadd.s32 $0xFFFFC000  }
0xee: {  	[tilespmem:s17], [sflag:$0x6] =	stream.indirect.gather [hbm4b:s3+s15], $0x80, s30, s15, $0xb8;
	[tilespmem:$0x18800] =	vst v63  }
0xef: {  	_ =	swait.ge [sflag:s14], $0x4000  }
0xf0: {  	[sflag:s14] =	ssyncset.done $0x0  }
0xf1: {  	s23 =	rddreg [dreg:$0xb];
	[sflag:s14] =	ssyncadd.s32 $0xFFFFC000  }
0xf2: {  	[hbm4b:s23+s2] =	stream.linear.scatter [tilespmem:s6], [sflag:$0x8], $0x4000, $0x38;
	[tilespmem:$0x18800] =	vst v63  }
0xf3: {  	_ =	swait.ge [sflag:s13], $0x4000  }
0xf4: {  	[sflag:s13] =	ssyncset.done $0x0  }
0xf5: {  	[sflag:s13] =	ssyncadd.s32 $0xFFFFC000  }
0xf6: {  	[tilespmem:s9], [sflag:$0x1] =	stream.indirect.gather [hbm4b:s3+s15], $0x80, s29, s15, $0xb8;
	[tilespmem:$0x18800] =	vst v63  }
0xf7: {  	_ =	swait.ge [sflag:s12], $0x4000  }
0xf8: {  	[sflag:s12] =	ssyncset.done $0x0  }
0xf9: {  	s23 =	rddreg [dreg:$0xc];
	[sflag:s12] =	ssyncadd.s32 $0xFFFFC000  }
0xfa: {  	[hbm4b:s23+s2] =	stream.linear.scatter [tilespmem:s5], [sflag:$0x9], $0x4000, $0x38;
	[tilespmem:$0x18800] =	vst v63  }
0xfb: {  	_ =	swait.ge [sflag:s11], $0x4000  }
0xfc: {  	[sflag:s11] =	ssyncset.done $0x0  }
0xfd: {  	[sflag:s11] =	ssyncadd.s32 $0xFFFFC000  }
0xfe: {  	[tilespmem:s6], [sflag:$0x2] =	stream.indirect.gather [hbm4b:s3+s15], $0x80, s28, s15, $0xb8;
	[tilespmem:$0x18800] =	vst v63  }
0xff: {  	_ =	swait.ge [sflag:s10], $0x4000  }
0x100: {  	[sflag:s10] =	ssyncset.done $0x0  }
0x101: {  	s23 =	rddreg [dreg:$0xd];
	[sflag:s10] =	ssyncadd.s32 $0xFFFFC000  }
0x102: {  	[hbm4b:s23+s2] =	stream.linear.scatter [tilespmem:s4], [sflag:$0xA], $0x4000, $0x38;
	[tilespmem:$0x18800] =	vst v63  }
0x103: {  	_ =	swait.ge [sflag:s7], $0x4000  }
0x104: {  	[sflag:s7] =	ssyncset.done $0x0  }
0x105: {  	[sflag:s7] =	ssyncadd.s32 $0xFFFFC000  }
0x106: {  	[tilespmem:s5], [sflag:$0x3] =	stream.indirect.gather [hbm4b:s3+s15], $0x80, s26, s15, $0xb8;
	[tilespmem:$0x18800] =	vst v63  }
0x107: {  	_ =	swait.ge [sflag:s22], $0x4000  }
0x108: {  	[sflag:s22] =	ssyncset.done $0x0  }
0x109: {  	s23 =	rddreg [dreg:$0xe];
	[sflag:s22] =	ssyncadd.s32 $0xFFFFC000  }
0x10a: {  	[hbm4b:s23+s2] =	stream.linear.scatter [tilespmem:s18], [sflag:$0xB], $0x4000, $0x38;
	[tilespmem:$0x18800] =	vst v63  }
0x10b: {  	_ =	swait.ge [sflag:s8], $0x4000  }
0x10c: {  	[sflag:s8] =	ssyncset.done $0x0  }
0x10d: {  	[sflag:s8] =	ssyncadd.s32 $0xFFFFC000  }
0x10e: {  	[tilespmem:s4], [sflag:$0x4] =	stream.indirect.gather [hbm4b:s3+s15], $0x80, s24, s15, $0xb8;
	[tilespmem:$0x18800] =	vst v63  }
0x10f: {  	_ =	swait.ge [sflag:s21], $0x4000  }
0x110: {  	[sflag:s21] =	ssyncset.done $0x0  }
0x111: {  	s23 =	rddreg [dreg:$0xf];
	[sflag:s21] =	ssyncadd.s32 $0xFFFFC000  }
0x112: {  	[hbm4b:s23+s2] =	stream.linear.scatter [tilespmem:s17], [sflag:$0xC], $0x4000, $0x38;
	[tilespmem:$0x18800] =	vst v63  }
0x113: {  	_ =	swait.ge [sflag:s20], $0x4000  }
0x114: {  	[sflag:s20] =	ssyncset.done $0x0  }
0x115: {  	[sflag:s20] =	ssyncadd.s32 $0xFFFFC000  }
0x116: {  	_ =	swait.ge [sflag:s16], $0x4000  }
0x117: {  	[sflag:s16] =	ssyncset.done $0x0  }
0x118: {  	s23 =	rddreg [dreg:$0x10];
	[sflag:s16] =	ssyncadd.s32 $0xFFFFC000  }
0x119: {  	[hbm4b:s23+s2] =	stream.linear.scatter [tilespmem:s9], [sflag:$0x7], $0x4000, $0x38;
	[tilespmem:$0x18800] =	vst v63  }
0x11a: {  	_ =	swait.ge [sflag:s19], $0x4000  }
0x11b: {  	[sflag:s19] =	ssyncset.done $0x0  }
0x11c: {  	[sflag:s19] =	ssyncadd.s32 $0xFFFFC000  }
0x11d: {  	_ =	swait.ge [sflag:s14], $0x4000  }
0x11e: {  	[sflag:s14] =	ssyncset.done $0x0  }
0x11f: {  	s23 =	rddreg [dreg:$0x11];
	[sflag:s14] =	ssyncadd.s32 $0xFFFFC000  }
0x120: {  	[hbm4b:s23+s2] =	stream.linear.scatter [tilespmem:s6], [sflag:$0x8], $0x4000, $0x38;
	[tilespmem:$0x18800] =	vst v63  }
0x121: {  	_ =	swait.ge [sflag:s13], $0x4000  }
0x122: {  	[sflag:s13] =	ssyncset.done $0x0  }
0x123: {  	[sflag:s13] =	ssyncadd.s32 $0xFFFFC000  }
0x124: {  	_ =	swait.ge [sflag:s12], $0x4000  }
0x125: {  	[sflag:s12] =	ssyncset.done $0x0  }
0x126: {  	s23 =	rddreg [dreg:$0x12];
	[sflag:s12] =	ssyncadd.s32 $0xFFFFC000  }
0x127: {  	[hbm4b:s23+s2] =	stream.linear.scatter [tilespmem:s5], [sflag:$0x9], $0x4000, $0x38;
	[tilespmem:$0x18800] =	vst v63  }
0x128: {  	_ =	swait.ge [sflag:s11], $0x4000  }
0x129: {  	[sflag:s11] =	ssyncset.done $0x0  }
0x12a: {  	[sflag:s11] =	ssyncadd.s32 $0xFFFFC000  }
0x12b: {  	_ =	swait.ge [sflag:s10], $0x4000  }
0x12c: {  	[sflag:s10] =	ssyncset.done $0x0  }
0x12d: {  	p1 =	sne.s32 s1, $0x1;
	s23 =	rddreg [dreg:$0x13];
	[sflag:s10] =	ssyncadd.s32 $0xFFFFC000  }
0x12e: {  	[hbm4b:s23+s2] =	stream.linear.scatter [tilespmem:s4], [sflag:$0xA], $0x4000, $0x38;
	[tilespmem:$0x18800] =	vst v63  }
.Ltmp2:
0x12f: {  	_ =	swait.ge [sflag:s7], $0x4000;
	(pc) =	sbr.rel @p1 .LBB2_4-.Ltmp2, $4  }
0x130: {  	[sflag:s7] =	ssyncset.done $0x0  }
0x131: {  	[sflag:s7] =	ssyncadd.s32 $0xFFFFC000  }
0x132: {  	_ =	swait.ge [sflag:s8], $0x4000  }
0x133: {  	s1 =	sadd.s32 $0xFFFFFFFF, s1;
	s0 =	rddreg [dreg:$0x4];
	[sflag:s8] =	ssyncset.done $0x0  }
0x134: {  	s23 =	simm.s32 $0x500;
	s30 =	simm.s32 $0x580;
	s29 =	simm.s32 $0x600  }
0x135: {  	s28 =	simm.s32 $0x680;
	s26 =	simm.s32 $0x700;
	s24 =	simm.s32 $0x780  }
.LBB2_6:
0x136: {  	[sflag:s8] =	ssyncadd.s32 @p0 $0xFFFFC000  }
0x137: {  	[tilespmem:s2], [sflag:$0xD] =	stream.linear.gather [hbm4b:s0+s2], $0x800, $0x38;
	[tilespmem:$0x18800] =	vst v63  }
0x138: {  	_ =	swait.ge [sflag:s31], $0x800  }
0x139: {  	[sflag:s31] =	ssyncset.done $0x0  }
0x13a: {  	[sflag:s31] =	ssyncadd.s32 $0xFFFFF800  }
0x13b: {  	[tilespmem:s9], [sflag:$0x1] =	stream.indirect.gather [hbm4b:s3+s15], $0x80, s2, s15, $0xb8;
	[tilespmem:$0x18800] =	vst v63  }
0x13c: {  	_ = 	snop  }
0x13d: {  	[tilespmem:s6], [sflag:$0x2] =	stream.indirect.gather [hbm4b:s3+s15], $0x80, s15, s15, $0xb8;
	[tilespmem:$0x18800] =	vst v63  }
0x13e: {  	s31 =	rddreg [dreg:$0x14]  }
0x13f: {  	[tilespmem:s5], [sflag:$0x3] =	stream.indirect.gather [hbm4b:s3+s15], $0x80, s31, s15, $0xb8;
	[tilespmem:$0x18800] =	vst v63  }
0x140: {  	s1 =	rddreg [dreg:$0x15]  }
0x141: {  	[tilespmem:s4], [sflag:$0x4] =	stream.indirect.gather [hbm4b:s3+s15], $0x80, s1, s15, $0xb8;
	[tilespmem:$0x18800] =	vst v63  }
0x142: {  	s31 =	rddreg [dreg:$0x16]  }
0x143: {  	[tilespmem:s18], [sflag:$0x5] =	stream.indirect.gather [hbm4b:s3+s15], $0x80, s31, s15, $0xb8;
	[tilespmem:$0x18800] =	vst v63  }
0x144: {  	_ =	swait.ge [sflag:s16], $0x4000  }
0x145: {  	[sflag:s16] =	ssyncset.done $0x0  }
0x146: {  	[sflag:s16] =	ssyncadd.s32 $0xFFFFC000  }
0x147: {  	[hbm4b:s25+s2] =	stream.linear.scatter [tilespmem:s9], [sflag:$0x7], $0x4000, $0x38;
	[tilespmem:$0x18800] =	vst v63  }
0x148: {  	s1 =	rddreg [dreg:$0x17]  }
0x149: {  	[tilespmem:s17], [sflag:$0x6] =	stream.indirect.gather [hbm4b:s3+s15], $0x80, s1, s15, $0xb8;
	[tilespmem:$0x18800] =	vst v63  }
0x14a: {  	_ =	swait.ge [sflag:s14], $0x4000  }
0x14b: {  	[sflag:s14] =	ssyncset.done $0x0  }
0x14c: {  	s25 =	rddreg [dreg:$0x5];
	[sflag:s14] =	ssyncadd.s32 $0xFFFFC000  }
0x14d: {  	[hbm4b:s25+s2] =	stream.linear.scatter [tilespmem:s6], [sflag:$0x8], $0x4000, $0x38;
	[tilespmem:$0x18800] =	vst v63  }
0x14e: {  	_ =	swait.ge [sflag:s13], $0x4000  }
0x14f: {  	[sflag:s13] =	ssyncset.done $0x0  }
0x150: {  	s31 =	rddreg [dreg:$0x18];
	[sflag:s13] =	ssyncadd.s32 $0xFFFFC000  }
0x151: {  	[tilespmem:s9], [sflag:$0x1] =	stream.indirect.gather [hbm4b:s3+s15], $0x80, s31, s15, $0xb8;
	[tilespmem:$0x18800] =	vst v63  }
0x152: {  	_ =	swait.ge [sflag:s12], $0x4000  }
0x153: {  	[sflag:s12] =	ssyncset.done $0x0  }
0x154: {  	s1 =	rddreg [dreg:$0x6];
	[sflag:s12] =	ssyncadd.s32 $0xFFFFC000  }
0x155: {  	[hbm4b:s1+s2] =	stream.linear.scatter [tilespmem:s5], [sflag:$0x9], $0x4000, $0x38;
	[tilespmem:$0x18800] =	vst v63  }
0x156: {  	_ =	swait.ge [sflag:s11], $0x4000  }
0x157: {  	[sflag:s11] =	ssyncset.done $0x0  }
0x158: {  	s25 =	rddreg [dreg:$0x19];
	[sflag:s11] =	ssyncadd.s32 $0xFFFFC000  }
0x159: {  	[tilespmem:s6], [sflag:$0x2] =	stream.indirect.gather [hbm4b:s3+s15], $0x80, s25, s15, $0xb8;
	[tilespmem:$0x18800] =	vst v63  }
0x15a: {  	_ =	swait.ge [sflag:s10], $0x4000  }
0x15b: {  	[sflag:s10] =	ssyncset.done $0x0  }
0x15c: {  	s31 =	rddreg [dreg:$0x7];
	[sflag:s10] =	ssyncadd.s32 $0xFFFFC000  }
0x15d: {  	[hbm4b:s31+s2] =	stream.linear.scatter [tilespmem:s4], [sflag:$0xA], $0x4000, $0x38;
	[tilespmem:$0x18800] =	vst v63  }
0x15e: {  	_ =	swait.ge [sflag:s7], $0x4000  }
0x15f: {  	[sflag:s7] =	ssyncset.done $0x0  }
0x160: {  	s1 =	rddreg [dreg:$0x1a];
	[sflag:s7] =	ssyncadd.s32 $0xFFFFC000  }
0x161: {  	[tilespmem:s5], [sflag:$0x3] =	stream.indirect.gather [hbm4b:s3+s15], $0x80, s1, s15, $0xb8;
	[tilespmem:$0x18800] =	vst v63  }
0x162: {  	_ =	swait.ge [sflag:s22], $0x4000  }
0x163: {  	[sflag:s22] =	ssyncset.done $0x0  }
0x164: {  	s25 =	rddreg [dreg:$0x8];
	[sflag:s22] =	ssyncadd.s32 $0xFFFFC000  }
0x165: {  	[hbm4b:s25+s2] =	stream.linear.scatter [tilespmem:s18], [sflag:$0xB], $0x4000, $0x38;
	[tilespmem:$0x18800] =	vst v63  }
0x166: {  	_ =	swait.ge [sflag:s8], $0x4000  }
0x167: {  	[sflag:s8] =	ssyncset.done $0x0  }
0x168: {  	s31 =	rddreg [dreg:$0x1b];
	[sflag:s8] =	ssyncadd.s32 $0xFFFFC000  }
0x169: {  	[tilespmem:s4], [sflag:$0x4] =	stream.indirect.gather [hbm4b:s3+s15], $0x80, s31, s15, $0xb8;
	[tilespmem:$0x18800] =	vst v63  }
0x16a: {  	_ =	swait.ge [sflag:s21], $0x4000  }
0x16b: {  	[sflag:s21] =	ssyncset.done $0x0  }
0x16c: {  	s1 =	rddreg [dreg:$0x9];
	[sflag:s21] =	ssyncadd.s32 $0xFFFFC000  }
0x16d: {  	[hbm4b:s1+s2] =	stream.linear.scatter [tilespmem:s17], [sflag:$0xC], $0x4000, $0x38;
	[tilespmem:$0x18800] =	vst v63  }
0x16e: {  	_ =	swait.ge [sflag:s20], $0x4000  }
0x16f: {  	[sflag:s20] =	ssyncset.done $0x0  }
0x170: {  	[sflag:s20] =	ssyncadd.s32 $0xFFFFC000  }
0x171: {  	[tilespmem:s18], [sflag:$0x5] =	stream.indirect.gather [hbm4b:s3+s15], $0x80, s23, s15, $0xb8;
	[tilespmem:$0x18800] =	vst v63  }
0x172: {  	_ =	swait.ge [sflag:s16], $0x4000  }
0x173: {  	[sflag:s16] =	ssyncset.done $0x0  }
0x174: {  	s25 =	rddreg [dreg:$0xa];
	[sflag:s16] =	ssyncadd.s32 $0xFFFFC000  }
0x175: {  	[hbm4b:s25+s2] =	stream.linear.scatter [tilespmem:s9], [sflag:$0x7], $0x4000, $0x38;
	[tilespmem:$0x18800] =	vst v63  }
0x176: {  	_ =	swait.ge [sflag:s19], $0x4000  }
0x177: {  	[sflag:s19] =	ssyncset.done $0x0  }
0x178: {  	[sflag:s19] =	ssyncadd.s32 $0xFFFFC000  }
0x179: {  	[tilespmem:s17], [sflag:$0x6] =	stream.indirect.gather [hbm4b:s3+s15], $0x80, s30, s15, $0xb8;
	[tilespmem:$0x18800] =	vst v63  }
0x17a: {  	_ =	swait.ge [sflag:s14], $0x4000  }
0x17b: {  	[sflag:s14] =	ssyncset.done $0x0  }
0x17c: {  	s30 =	rddreg [dreg:$0xb];
	[sflag:s14] =	ssyncadd.s32 $0xFFFFC000  }
0x17d: {  	[hbm4b:s30+s2] =	stream.linear.scatter [tilespmem:s6], [sflag:$0x8], $0x4000, $0x38;
	[tilespmem:$0x18800] =	vst v63  }
0x17e: {  	_ =	swait.ge [sflag:s13], $0x4000  }
0x17f: {  	[sflag:s13] =	ssyncset.done $0x0  }
0x180: {  	[sflag:s13] =	ssyncadd.s32 $0xFFFFC000  }
0x181: {  	[tilespmem:s9], [sflag:$0x1] =	stream.indirect.gather [hbm4b:s3+s15], $0x80, s29, s15, $0xb8;
	[tilespmem:$0x18800] =	vst v63  }
0x182: {  	_ =	swait.ge [sflag:s12], $0x4000  }
0x183: {  	[sflag:s12] =	ssyncset.done $0x0  }
0x184: {  	s31 =	rddreg [dreg:$0xc];
	[sflag:s12] =	ssyncadd.s32 $0xFFFFC000  }
0x185: {  	[hbm4b:s31+s2] =	stream.linear.scatter [tilespmem:s5], [sflag:$0x9], $0x4000, $0x38;
	[tilespmem:$0x18800] =	vst v63  }
0x186: {  	_ =	swait.ge [sflag:s11], $0x4000  }
0x187: {  	[sflag:s11] =	ssyncset.done $0x0  }
0x188: {  	[sflag:s11] =	ssyncadd.s32 $0xFFFFC000  }
0x189: {  	[tilespmem:s6], [sflag:$0x2] =	stream.indirect.gather [hbm4b:s3+s15], $0x80, s28, s15, $0xb8;
	[tilespmem:$0x18800] =	vst v63  }
0x18a: {  	_ =	swait.ge [sflag:s10], $0x4000  }
0x18b: {  	[sflag:s10] =	ssyncset.done $0x0  }
0x18c: {  	s1 =	rddreg [dreg:$0xd];
	[sflag:s10] =	ssyncadd.s32 $0xFFFFC000  }
0x18d: {  	[hbm4b:s1+s2] =	stream.linear.scatter [tilespmem:s4], [sflag:$0xA], $0x4000, $0x38;
	[tilespmem:$0x18800] =	vst v63  }
0x18e: {  	_ =	swait.ge [sflag:s7], $0x4000  }
0x18f: {  	[sflag:s7] =	ssyncset.done $0x0  }
0x190: {  	[sflag:s7] =	ssyncadd.s32 $0xFFFFC000  }
0x191: {  	[tilespmem:s5], [sflag:$0x3] =	stream.indirect.gather [hbm4b:s3+s15], $0x80, s26, s15, $0xb8;
	[tilespmem:$0x18800] =	vst v63  }
0x192: {  	_ =	swait.ge [sflag:s22], $0x4000  }
0x193: {  	[sflag:s22] =	ssyncset.done $0x0  }
0x194: {  	s23 =	rddreg [dreg:$0xe];
	[sflag:s22] =	ssyncadd.s32 $0xFFFFC000  }
0x195: {  	[hbm4b:s23+s2] =	stream.linear.scatter [tilespmem:s18], [sflag:$0xB], $0x4000, $0x38;
	[tilespmem:$0x18800] =	vst v63  }
0x196: {  	_ =	swait.ge [sflag:s8], $0x4000  }
0x197: {  	[sflag:s8] =	ssyncset.done $0x0  }
0x198: {  	[sflag:s8] =	ssyncadd.s32 $0xFFFFC000  }
0x199: {  	[tilespmem:s4], [sflag:$0x4] =	stream.indirect.gather [hbm4b:s3+s15], $0x80, s24, s15, $0xb8;
	[tilespmem:$0x18800] =	vst v63  }
0x19a: {  	_ =	swait.ge [sflag:s21], $0x4000  }
0x19b: {  	[sflag:s21] =	ssyncset.done $0x0  }
0x19c: {  	s25 =	rddreg [dreg:$0xf];
	[sflag:s21] =	ssyncadd.s32 $0xFFFFC000  }
0x19d: {  	[hbm4b:s25+s2] =	stream.linear.scatter [tilespmem:s17], [sflag:$0xC], $0x4000, $0x38;
	[tilespmem:$0x18800] =	vst v63  }
0x19e: {  	_ =	swait.ge [sflag:s20], $0x4000  }
0x19f: {  	[sflag:s20] =	ssyncset.done $0x0  }
0x1a0: {  	[sflag:s20] =	ssyncadd.s32 $0xFFFFC000  }
0x1a1: {  	_ =	swait.ge [sflag:s16], $0x4000  }
0x1a2: {  	[sflag:s16] =	ssyncset.done $0x0  }
0x1a3: {  	s26 =	rddreg [dreg:$0x10];
	[sflag:s16] =	ssyncadd.s32 $0xFFFFC000  }
0x1a4: {  	[hbm4b:s26+s2] =	stream.linear.scatter [tilespmem:s9], [sflag:$0x7], $0x4000, $0x38;
	[tilespmem:$0x18800] =	vst v63  }
0x1a5: {  	_ =	swait.ge [sflag:s19], $0x4000  }
0x1a6: {  	[sflag:s19] =	ssyncset.done $0x0  }
0x1a7: {  	[sflag:s19] =	ssyncadd.s32 $0xFFFFC000  }
0x1a8: {  	_ =	swait.ge [sflag:s14], $0x4000  }
0x1a9: {  	[sflag:s14] =	ssyncset.done $0x0  }
0x1aa: {  	s28 =	rddreg [dreg:$0x11];
	[sflag:s14] =	ssyncadd.s32 $0xFFFFC000  }
0x1ab: {  	[hbm4b:s28+s2] =	stream.linear.scatter [tilespmem:s6], [sflag:$0x8], $0x4000, $0x38;
	[tilespmem:$0x18800] =	vst v63  }
0x1ac: {  	_ =	swait.ge [sflag:s13], $0x4000  }
0x1ad: {  	[sflag:s13] =	ssyncset.done $0x0  }
0x1ae: {  	[sflag:s13] =	ssyncadd.s32 $0xFFFFC000  }
0x1af: {  	_ =	swait.ge [sflag:s12], $0x4000  }
0x1b0: {  	[sflag:s12] =	ssyncset.done $0x0  }
0x1b1: {  	s29 =	rddreg [dreg:$0x12];
	[sflag:s12] =	ssyncadd.s32 $0xFFFFC000  }
0x1b2: {  	[hbm4b:s29+s2] =	stream.linear.scatter [tilespmem:s5], [sflag:$0x9], $0x4000, $0x38;
	[tilespmem:$0x18800] =	vst v63  }
0x1b3: {  	_ =	swait.ge [sflag:s11], $0x4000  }
0x1b4: {  	[sflag:s11] =	ssyncset.done $0x0  }
0x1b5: {  	[sflag:s11] =	ssyncadd.s32 $0xFFFFC000  }
0x1b6: {  	_ =	swait.ge [sflag:s10], $0x4000  }
0x1b7: {  	[sflag:s10] =	ssyncset.done $0x0  }
0x1b8: {  	s30 =	rddreg [dreg:$0x13];
	[sflag:s10] =	ssyncadd.s32 $0xFFFFC000  }
0x1b9: {  	[hbm4b:s30+s2] =	stream.linear.scatter [tilespmem:s4], [sflag:$0xA], $0x4000, $0x38;
	[tilespmem:$0x18800] =	vst v63  }
0x1ba: {  	_ =	swait.ge [sflag:s7], $0x4000  }
0x1bb: {  	[sflag:s7] =	ssyncset.done $0x0  }
0x1bc: {  	[sflag:s7] =	ssyncadd.s32 $0xFFFFC000  }
0x1bd: {  	_ =	swait.ge [sflag:s8], $0x4000  }
0x1be: {  	[sflag:s8] =	ssyncset.done $0x0  }
0x1bf: {  	[sflag:s8] =	ssyncadd.s32 $0xFFFFC000  }
0x1c0: {  	_ =	sfence.sel $0x180000  }
0x1c1: {  	[bflag:$0x0] =	sbarrier.arrive $0xFFFF  }
0x1c2: {  	_ =	strace $0x90000047  }
0x1c3: {  	s31 =	stileid.u32;
	[bflag:$0x2] =	sbarrier.arrive $0xFFFF  }
0x1c4: {  	p0 =	sne.s32 s31, $0x0;
	s0 =	rddreg [dreg:$0x3]  }
0x1c5: {  	s0 =	sadd.s32 @!p0 $0x100000, s0  }
0x1c6: {  	[sflag:s0] =	ssyncadd.tile.s32 @!p0 $0x1;
	_ =	shalt  }
.LBB2_1:
.Ltmp3:
0x1c7: {  	(pc) =	sbr.rel .LBB2_6-.Ltmp3, $3  }
0x1c8: {  	_ =	sdelay $0x1  }
0x1c9: {  	s23 =	simm.s32 $0x500;
	s30 =	simm.s32 $0x580;
	s29 =	simm.s32 $0x600  }
0x1ca: {  	s28 =	simm.s32 $0x680;
	s26 =	simm.s32 $0x700;
	s24 =	simm.s32 $0x780  }
.LBB2_3:
.Ltmp4:
0x1cb: {  	(pc) =	sbr.rel .LBB2_6-.Ltmp4, $3  }
0x1cc: {  	_ =	sdelay $0x1  }
0x1cd: {  	s23 =	simm.s32 $0x500;
	s30 =	simm.s32 $0x580;
	s29 =	simm.s32 $0x600  }
0x1ce: {  	s28 =	simm.s32 $0x680;
	s26 =	simm.s32 $0x700;
	s24 =	simm.s32 $0x780  }
.Lfunc_end2:
_tile_overlayer_lowered:
.L_overlay_start_2:
0x1cf: {  	(tag) =	ssettag $0x2  }
0x1d0: {  	s0 =	rddreg [dreg:$0x0];
	s2 =	stileid.u32  }
0x1d1: {  	s1 =	rddreg [dreg:$0x1];
	p0 =	sne.s32 s2, $0x0  }
0x1d2: {  	s3 =	rddreg [dreg:$0x2];
	[bflag:$0x3] =	sbarrier.arrive $0xFFFF;
	s2 =	simm.s32 @!p0 $0x1C0D  }
0x1d3: {  	[timem:s3], [sflag:s2] =	dma.local @!p0 [hbm:s0], s1  }
0x1d4: {  	s0 =	simm.s32 @!p0 $0xD  }
0x1d5: {  	_ =	swait.ge @!p0 [sflag:s0], s1  }
0x1d6: {  	s1 =	ssub.s32 @!p0 $0x0, s1;
	[sflag:s0] =	ssyncset.done @!p0 $0x0  }
0x1d7: {  	[sflag:s0] =	ssyncadd.s32 @!p0 s1  }
0x1d8: {  	[bflag:$0x3] =	sbarrier.arrive $0xFFFF  }
0x1d9: {  	_ =	shalt  }

</sc_bundles>
